<compile_context>
chip_gen: v7x
topology: tpu7x:2x2x1
jax: 0.10.2.dev20260603
libtpu: 0.0.44.dev20260713+nightly
codegen_flags: <defaults>
</compile_context>

<pallas_src>
import functools

import jax
import jax.numpy as jnp
from jax import lax
from jax.experimental import pallas as pl
from jax.experimental.pallas import tpu as pltpu
from jax.experimental.pallas import tpu_sc as plsc


def _splat(tvec, idx):
    return lax.gather(
        tvec,
        jnp.full((16, 1), idx, jnp.int32),
        lax.GatherDimensionNumbers(
            offset_dims=(), collapsed_slice_dims=(0,), start_index_map=(0,)
        ),
        (1,),
        mode=lax.GatherScatterMode.PROMISE_IN_BOUNDS,
    )


def _make_sc_add(L, D, B):
    NC = 2
    NW = 32
    OCT = D // 8
    UNITS = L * OCT
    UPW = UNITS // NW
    mesh = plsc.VectorSubcoreMesh(core_axis_name="c", subcore_axis_name="s")

    @functools.partial(
        pl.kernel,
        mesh=mesh,
        out_type=jax.ShapeDtypeStruct((L, D, B), jnp.float32),
        scratch_types=[
            pltpu.VMEM((3, 8, B), jnp.float32),
            pltpu.VMEM((3, 16), jnp.float32),
            pltpu.SemaphoreType.DMA,
            pltpu.SemaphoreType.DMA,
        ],
    )
    def sc_add(x_hbm, t_hbm, out_hbm, buf, tv, isem, osem):
        wid = lax.axis_index("s") * NC + lax.axis_index("c")
        u0 = wid * UPW

        def start_in(u, slot):
            l = u // OCT
            a = u % OCT
            pltpu.sync_copy(
                t_hbm.at[pl.ds(l * D + 8 * a, 8)], tv.at[slot, pl.ds(0, 8)]
            )
            pltpu.async_copy(x_hbm.at[l, pl.ds(8 * a, 8), :], buf.at[slot], isem)

        def wait_one_in(slot):
            pltpu.make_async_copy(
                x_hbm.at[0, pl.ds(0, 8), :], buf.at[slot], isem
            ).wait()

        def drain_one_out(slot):
            pltpu.make_async_copy(
                buf.at[slot], out_hbm.at[0, pl.ds(0, 8), :], osem
            ).wait()

        start_in(u0, 0)
        start_in(u0 + 1, 1)

        def unit(j, carry):
            u = u0 + j
            slot = lax.rem(j, 3)
            wait_one_in(slot)
            tvec = tv[slot]
            vals = [_splat(tvec, r) for r in range(8)]

            def col(c, _):
                for cc in range(4):
                    base = (c * 4 + cc) * 16
                    sl = pl.ds(base, 16)
                    for r in range(8):
                        buf[slot, r, sl] = buf[slot, r, sl] + vals[r]
                return _

            lax.fori_loop(0, B // 64, col, 0)
            l = u // OCT
            a = u % OCT
            pltpu.async_copy(buf.at[slot], out_hbm.at[l, pl.ds(8 * a, 8), :], osem)

            @pl.when(j + 2 < UPW)
            def _():
                @pl.when(j >= 1)
                def _():
                    drain_one_out(slot)

                start_in(u + 2, lax.rem(j + 2, 3))

            return carry

        lax.fori_loop(0, UPW, unit, 0)
        drain_one_out(0)
        drain_one_out(1)
        drain_one_out(2)

    return sc_add


def kernel(x, pos_table):
    B, L, D = x.shape
    xt = x.transpose(1, 2, 0)
    tflat = pos_table.reshape(-1)
    out_t = _make_sc_add(L, D, B)(xt, tflat)
    return out_t.transpose(2, 0, 1)

# --- scband reference (transcript-rebuilt; emitter-appended) ---
"""Pipeline reference for scband-positional-encoding-38311108280736 (READ-ONLY COPY).

The authoritative reference and input builder live on the scoring server;
editing this copy changes nothing except your own understanding.
"""

import jax, jax.numpy as jnp
import numpy as np

MAX_LEN = 200
DIM = 64

def setup_inputs(seed: int = 0) -> dict:
    key = jax.random.key(seed)
    k1, k2 = jax.random.split(key)
    x = jax.random.normal(k1, (4096, 200, 64), dtype=jnp.float32)
    # learned positional embedding table, sized per init_kwargs (max_len, dim)
    pos_table = jax.random.normal(k2, (MAX_LEN, DIM), dtype=jnp.float32) * 0.05
    return {"x": x, "pos_table": pos_table}

def reference(x, pos_table):
    # Faithful translation of PositionalEncoding.call:
    # positions = range(seq_len)[None, :]; pos_emb = Embedding(positions); return x + pos_emb
    seq_len = x.shape[1]
    positions = jnp.arange(seq_len)
    pos_emb = jnp.take(pos_table, positions, axis=0)[jnp.newaxis, :, :]  # [1, L, dim]
    return x + pos_emb

if __name__ == "__main__":
    import jax
    _d = setup_inputs()
    print(jax.jit(kernel)(*tuple(_d.values())))

</pallas_src>

<mosaic_0001>
#map = affine_map<(d0, d1) -> (0, 0, 0)>
#map1 = affine_map<(d0, d1) -> (0)>
module attributes {stable_mosaic.version = 14 : i64} {
  func.func @sc_add(%arg0: i32, %arg1: i32, %arg2: memref<200x64x4096xf32, #tpu.memory_space<hbm>>, %arg3: memref<12800xf32, #tpu.memory_space<hbm>>, %arg4: memref<200x64x4096xf32, #tpu.memory_space<hbm>>, %arg5: memref<3x8x4096xf32, #tpu.memory_space<vmem>>, %arg6: memref<3x16xf32, #tpu.memory_space<vmem>>, %arg7: memref<!tpu.dma_semaphore, #tpu.memory_space<semaphore_mem>>, %arg8: memref<!tpu.dma_semaphore, #tpu.memory_space<semaphore_mem>>) attributes {dimension_semantics = [#tpu.dimension_semantics<core_parallel>, #tpu.dimension_semantics<subcore_parallel>], iteration_bounds = array<i64: 2, 16>, scalar_prefetch = 0 : i64, scratch_operands = 4 : i64, tpu.core_type = #tpu.core_type<sc_vector_subcore>, window_params = [{transform_indices = #map}, {transform_indices = #map1}, {transform_indices = #map}]} {
    %mul3A = arith.constant 2 : i32
    %mul3A_0 = arith.muli %arg1, %mul3A : i32
    %add3A = arith.addi %mul3A_0, %arg0 : i32
    %mul3A_1 = arith.constant 50 : i32
    %mul3A_2 = arith.muli %add3A, %mul3A_1 : i32
    %jit3A = arith.constant 8 : i32
    %div3A = arith.divsi %mul3A_2, %jit3A : i32
    %sign3A = arith.constant 0 : i32
    %sign3A_3 = arith.cmpi sgt, %mul3A_2, %sign3A : i32
    %sign3A_4 = arith.extui %sign3A_3 : i1 to i32
    %sign3A_5 = arith.constant 0 : i32
    %sign3A_6 = arith.cmpi slt, %mul3A_2, %sign3A_5 : i32
    %sign3A_7 = arith.extui %sign3A_6 : i1 to i32
    %sign3A_8 = arith.subi %sign3A_4, %sign3A_7 : i32
    %sign3A_9 = arith.constant 0 : i32
    %sign3A_10 = arith.cmpi sgt, %jit3A, %sign3A_9 : i32
    %sign3A_11 = arith.extui %sign3A_10 : i1 to i32
    %sign3A_12 = arith.constant 0 : i32
    %sign3A_13 = arith.cmpi slt, %jit3A, %sign3A_12 : i32
    %sign3A_14 = arith.extui %sign3A_13 : i1 to i32
    %sign3A_15 = arith.subi %sign3A_11, %sign3A_14 : i32
    %ne3A = arith.cmpi ne, %sign3A_8, %sign3A_15 : i32
    %rem3A = arith.remsi %mul3A_2, %jit3A : i32
    %ne3A_16 = arith.constant 0 : i32
    %ne3A_17 = arith.cmpi ne, %rem3A, %ne3A_16 : i32
    %and3A = arith.andi %ne3A, %ne3A_17 : i1
    %sub3A = arith.constant 1 : i32
    %sub3A_18 = arith.subi %div3A, %sub3A : i32
    %select_n3A = arith.select %and3A, %sub3A_18, %div3A : i32
    %jit3A_19 = arith.constant 8 : i32
    %eq3A = arith.constant 0 : i32
    %eq3A_20 = arith.cmpi eq, %jit3A_19, %eq3A : i32
    %jit3A_21 = arith.constant 1 : i32
    %select_n3A_22 = arith.select %eq3A_20, %jit3A_21, %jit3A_19 : i32
    %rem3A_23 = arith.remsi %mul3A_2, %select_n3A_22 : i32
    %ne3A_24 = arith.constant 0 : i32
    %ne3A_25 = arith.cmpi ne, %rem3A_23, %ne3A_24 : i32
    %lt3A = arith.constant 0 : i32
    %lt3A_26 = arith.cmpi slt, %rem3A_23, %lt3A : i32
    %lt3A_27 = arith.constant 0 : i32
    %lt3A_28 = arith.cmpi slt, %select_n3A_22, %lt3A_27 : i32
    %ne3A_29 = arith.xori %lt3A_26, %lt3A_28 : i1
    %and3A_30 = arith.andi %ne3A_29, %ne3A_25 : i1
    %add3A_31 = arith.addi %rem3A_23, %select_n3A_22 : i32
    %select_n3A_32 = arith.select %and3A_30, %add3A_31, %rem3A_23 : i32
    %mul3A_33 = arith.constant 64 : i32
    %mul3A_34 = arith.muli %select_n3A, %mul3A_33 : i32
    %mul3A_35 = arith.constant 8 : i32
    %mul3A_36 = arith.muli %mul3A_35, %select_n3A_32 : i32
    %add3A_37 = arith.addi %mul3A_34, %mul3A_36 : i32
    %run_scoped3A = arith.constant 0 : i32
    "tpu.region"() ({
      %run_scoped3A_177 = tpu.sem_alloc : memref<!tpu.dma_semaphore, #tpu.memory_space<semaphore_mem>>
      %dma_start3A_178 = arith.constant 0 : i32
      %dma_start3A_179 = tpu.memref_slice %arg6[%run_scoped3A, %dma_start3A_178] : memref<3x16xf32, #tpu.memory_space<vmem>> -> memref<1x8xf32, #tpu.memory_space<vmem>>
      %dma_start3A_180 = tpu.memref_squeeze %dma_start3A_179 : memref<1x8xf32, #tpu.memory_space<vmem>> -> memref<8xf32, #tpu.memory_space<vmem>>
      %dma_start3A_181 = tpu.memref_slice %arg3[%add3A_37] : memref<12800xf32, #tpu.memory_space<hbm>> -> memref<8xf32, #tpu.memory_space<hbm>>
      %dma_start3A_182 = arith.constant 0 : i32
      %dma_start3A_183 = tpu.memref_slice %arg6[%run_scoped3A, %dma_start3A_182] : memref<3x16xf32, #tpu.memory_space<vmem>> -> memref<1x8xf32, #tpu.memory_space<vmem>>
      %dma_start3A_184 = tpu.memref_squeeze %dma_start3A_183 : memref<1x8xf32, #tpu.memory_space<vmem>> -> memref<8xf32, #tpu.memory_space<vmem>>
      %dma_start3A_185 = tpu.memref_slice %arg3[%add3A_37] : memref<12800xf32, #tpu.memory_space<hbm>> -> memref<8xf32, #tpu.memory_space<hbm>>
      tpu.enqueue_dma source(%dma_start3A_185 : memref<8xf32, #tpu.memory_space<hbm>>) target(%dma_start3A_184 : memref<8xf32, #tpu.memory_space<vmem>>) target_semaphore(%run_scoped3A_177 : memref<!tpu.dma_semaphore, #tpu.memory_space<semaphore_mem>>)
      %dma_wait3A_186 = arith.constant 0 : i32
      %dma_wait3A_187 = tpu.memref_slice %arg6[%run_scoped3A, %dma_wait3A_186] : memref<3x16xf32, #tpu.memory_space<vmem>> -> memref<1x8xf32, #tpu.memory_space<vmem>>
      %dma_wait3A_188 = tpu.memref_squeeze %dma_wait3A_187 : memref<1x8xf32, #tpu.memory_space<vmem>> -> memref<8xf32, #tpu.memory_space<vmem>>
      %dma_wait3A_189 = tpu.memref_slice %arg3[%add3A_37] : memref<12800xf32, #tpu.memory_space<hbm>> -> memref<8xf32, #tpu.memory_space<hbm>>
      %dma_wait3A_190 = arith.constant 0 : i32
      %dma_wait3A_191 = tpu.memref_slice %arg6[%run_scoped3A, %dma_wait3A_190] : memref<3x16xf32, #tpu.memory_space<vmem>> -> memref<1x8xf32, #tpu.memory_space<vmem>>
      %dma_wait3A_192 = tpu.memref_squeeze %dma_wait3A_191 : memref<1x8xf32, #tpu.memory_space<vmem>> -> memref<8xf32, #tpu.memory_space<vmem>>
      %dma_wait3A_193 = tpu.memref_slice %arg3[%add3A_37] : memref<12800xf32, #tpu.memory_space<hbm>> -> memref<8xf32, #tpu.memory_space<hbm>>
      tpu.wait_dma2 semaphore(%run_scoped3A_177 : memref<!tpu.dma_semaphore, #tpu.memory_space<semaphore_mem>>) src(%dma_wait3A_193 : memref<8xf32, #tpu.memory_space<hbm>>) dst(%dma_wait3A_192 : memref<8xf32, #tpu.memory_space<vmem>>)
      tpu.yield
    }) : () -> ()
    %mul3A_38 = arith.constant 8 : i32
    %mul3A_39 = arith.muli %mul3A_38, %select_n3A_32 : i32
    %dma_start3A = arith.constant 0 : i32
    %dma_start3A_40 = arith.constant 0 : i32
    %dma_start3A_41 = arith.constant 0 : i32
    %dma_start3A_42 = tpu.memref_slice %arg5[%dma_start3A, %dma_start3A_40, %dma_start3A_41] : memref<3x8x4096xf32, #tpu.memory_space<vmem>> -> memref<1x8x4096xf32, #tpu.memory_space<vmem>>
    %dma_start3A_43 = tpu.memref_squeeze %dma_start3A_42 : memref<1x8x4096xf32, #tpu.memory_space<vmem>> -> memref<8x4096xf32, #tpu.memory_space<vmem>>
    %dma_start3A_44 = arith.constant 0 : i32
    %dma_start3A_45 = tpu.memref_slice %arg2[%select_n3A, %mul3A_39, %dma_start3A_44] : memref<200x64x4096xf32, #tpu.memory_space<hbm>> -> memref<1x8x4096xf32, #tpu.memory_space<hbm>>
    %dma_start3A_46 = tpu.memref_squeeze %dma_start3A_45 : memref<1x8x4096xf32, #tpu.memory_space<hbm>> -> memref<8x4096xf32, #tpu.memory_space<hbm>>
    %dma_start3A_47 = arith.constant 0 : i32
    %dma_start3A_48 = arith.constant 0 : i32
    %dma_start3A_49 = tpu.memref_slice %arg5[%dma_start3A, %dma_start3A_47, %dma_start3A_48] : memref<3x8x4096xf32, #tpu.memory_space<vmem>> -> memref<1x8x4096xf32, #tpu.memory_space<vmem>>
    %dma_start3A_50 = tpu.memref_squeeze %dma_start3A_49 : memref<1x8x4096xf32, #tpu.memory_space<vmem>> -> memref<8x4096xf32, #tpu.memory_space<vmem>>
    %dma_start3A_51 = arith.constant 0 : i32
    %dma_start3A_52 = tpu.memref_slice %arg2[%select_n3A, %mul3A_39, %dma_start3A_51] : memref<200x64x4096xf32, #tpu.memory_space<hbm>> -> memref<1x8x4096xf32, #tpu.memory_space<hbm>>
    %dma_start3A_53 = tpu.memref_squeeze %dma_start3A_52 : memref<1x8x4096xf32, #tpu.memory_space<hbm>> -> memref<8x4096xf32, #tpu.memory_space<hbm>>
    tpu.enqueue_dma source(%dma_start3A_53 : memref<8x4096xf32, #tpu.memory_space<hbm>>) target(%dma_start3A_50 : memref<8x4096xf32, #tpu.memory_space<vmem>>) target_semaphore(%arg7 : memref<!tpu.dma_semaphore, #tpu.memory_space<semaphore_mem>>)
    %add3A_54 = arith.constant 1 : i32
    %add3A_55 = arith.addi %mul3A_2, %add3A_54 : i32
    %jit3A_56 = arith.constant 8 : i32
    %div3A_57 = arith.divsi %add3A_55, %jit3A_56 : i32
    %sign3A_58 = arith.constant 0 : i32
    %sign3A_59 = arith.cmpi sgt, %add3A_55, %sign3A_58 : i32
    %sign3A_60 = arith.extui %sign3A_59 : i1 to i32
    %sign3A_61 = arith.constant 0 : i32
    %sign3A_62 = arith.cmpi slt, %add3A_55, %sign3A_61 : i32
    %sign3A_63 = arith.extui %sign3A_62 : i1 to i32
    %sign3A_64 = arith.subi %sign3A_60, %sign3A_63 : i32
    %sign3A_65 = arith.constant 0 : i32
    %sign3A_66 = arith.cmpi sgt, %jit3A_56, %sign3A_65 : i32
    %sign3A_67 = arith.extui %sign3A_66 : i1 to i32
    %sign3A_68 = arith.constant 0 : i32
    %sign3A_69 = arith.cmpi slt, %jit3A_56, %sign3A_68 : i32
    %sign3A_70 = arith.extui %sign3A_69 : i1 to i32
    %sign3A_71 = arith.subi %sign3A_67, %sign3A_70 : i32
    %ne3A_72 = arith.cmpi ne, %sign3A_64, %sign3A_71 : i32
    %rem3A_73 = arith.remsi %add3A_55, %jit3A_56 : i32
    %ne3A_74 = arith.constant 0 : i32
    %ne3A_75 = arith.cmpi ne, %rem3A_73, %ne3A_74 : i32
    %and3A_76 = arith.andi %ne3A_72, %ne3A_75 : i1
    %sub3A_77 = arith.constant 1 : i32
    %sub3A_78 = arith.subi %div3A_57, %sub3A_77 : i32
    %select_n3A_79 = arith.select %and3A_76, %sub3A_78, %div3A_57 : i32
    %jit3A_80 = arith.constant 8 : i32
    %eq3A_81 = arith.constant 0 : i32
    %eq3A_82 = arith.cmpi eq, %jit3A_80, %eq3A_81 : i32
    %jit3A_83 = arith.constant 1 : i32
    %select_n3A_84 = arith.select %eq3A_82, %jit3A_83, %jit3A_80 : i32
    %rem3A_85 = arith.remsi %add3A_55, %select_n3A_84 : i32
    %ne3A_86 = arith.constant 0 : i32
    %ne3A_87 = arith.cmpi ne, %rem3A_85, %ne3A_86 : i32
    %lt3A_88 = arith.constant 0 : i32
    %lt3A_89 = arith.cmpi slt, %rem3A_85, %lt3A_88 : i32
    %lt3A_90 = arith.constant 0 : i32
    %lt3A_91 = arith.cmpi slt, %select_n3A_84, %lt3A_90 : i32
    %ne3A_92 = arith.xori %lt3A_89, %lt3A_91 : i1
    %and3A_93 = arith.andi %ne3A_92, %ne3A_87 : i1
    %add3A_94 = arith.addi %rem3A_85, %select_n3A_84 : i32
    %select_n3A_95 = arith.select %and3A_93, %add3A_94, %rem3A_85 : i32
    %mul3A_96 = arith.constant 64 : i32
    %mul3A_97 = arith.muli %select_n3A_79, %mul3A_96 : i32
    %mul3A_98 = arith.constant 8 : i32
    %mul3A_99 = arith.muli %mul3A_98, %select_n3A_95 : i32
    %add3A_100 = arith.addi %mul3A_97, %mul3A_99 : i32
    %run_scoped3A_101 = arith.constant 1 : i32
    "tpu.region"() ({
      %run_scoped3A_177 = tpu.sem_alloc : memref<!tpu.dma_semaphore, #tpu.memory_space<semaphore_mem>>
      %dma_start3A_178 = arith.constant 0 : i32
      %dma_start3A_179 = tpu.memref_slice %arg6[%run_scoped3A_101, %dma_start3A_178] : memref<3x16xf32, #tpu.memory_space<vmem>> -> memref<1x8xf32, #tpu.memory_space<vmem>>
      %dma_start3A_180 = tpu.memref_squeeze %dma_start3A_179 : memref<1x8xf32, #tpu.memory_space<vmem>> -> memref<8xf32, #tpu.memory_space<vmem>>
      %dma_start3A_181 = tpu.memref_slice %arg3[%add3A_100] : memref<12800xf32, #tpu.memory_space<hbm>> -> memref<8xf32, #tpu.memory_space<hbm>>
      %dma_start3A_182 = arith.constant 0 : i32
      %dma_start3A_183 = tpu.memref_slice %arg6[%run_scoped3A_101, %dma_start3A_182] : memref<3x16xf32, #tpu.memory_space<vmem>> -> memref<1x8xf32, #tpu.memory_space<vmem>>
      %dma_start3A_184 = tpu.memref_squeeze %dma_start3A_183 : memref<1x8xf32, #tpu.memory_space<vmem>> -> memref<8xf32, #tpu.memory_space<vmem>>
      %dma_start3A_185 = tpu.memref_slice %arg3[%add3A_100] : memref<12800xf32, #tpu.memory_space<hbm>> -> memref<8xf32, #tpu.memory_space<hbm>>
      tpu.enqueue_dma source(%dma_start3A_185 : memref<8xf32, #tpu.memory_space<hbm>>) target(%dma_start3A_184 : memref<8xf32, #tpu.memory_space<vmem>>) target_semaphore(%run_scoped3A_177 : memref<!tpu.dma_semaphore, #tpu.memory_space<semaphore_mem>>)
      %dma_wait3A_186 = arith.constant 0 : i32
      %dma_wait3A_187 = tpu.memref_slice %arg6[%run_scoped3A_101, %dma_wait3A_186] : memref<3x16xf32, #tpu.memory_space<vmem>> -> memref<1x8xf32, #tpu.memory_space<vmem>>
      %dma_wait3A_188 = tpu.memref_squeeze %dma_wait3A_187 : memref<1x8xf32, #tpu.memory_space<vmem>> -> memref<8xf32, #tpu.memory_space<vmem>>
      %dma_wait3A_189 = tpu.memref_slice %arg3[%add3A_100] : memref<12800xf32, #tpu.memory_space<hbm>> -> memref<8xf32, #tpu.memory_space<hbm>>
      %dma_wait3A_190 = arith.constant 0 : i32
      %dma_wait3A_191 = tpu.memref_slice %arg6[%run_scoped3A_101, %dma_wait3A_190] : memref<3x16xf32, #tpu.memory_space<vmem>> -> memref<1x8xf32, #tpu.memory_space<vmem>>
      %dma_wait3A_192 = tpu.memref_squeeze %dma_wait3A_191 : memref<1x8xf32, #tpu.memory_space<vmem>> -> memref<8xf32, #tpu.memory_space<vmem>>
      %dma_wait3A_193 = tpu.memref_slice %arg3[%add3A_100] : memref<12800xf32, #tpu.memory_space<hbm>> -> memref<8xf32, #tpu.memory_space<hbm>>
      tpu.wait_dma2 semaphore(%run_scoped3A_177 : memref<!tpu.dma_semaphore, #tpu.memory_space<semaphore_mem>>) src(%dma_wait3A_193 : memref<8xf32, #tpu.memory_space<hbm>>) dst(%dma_wait3A_192 : memref<8xf32, #tpu.memory_space<vmem>>)
      tpu.yield
    }) : () -> ()
    %mul3A_102 = arith.constant 8 : i32
    %mul3A_103 = arith.muli %mul3A_102, %select_n3A_95 : i32
    %dma_start3A_104 = arith.constant 1 : i32
    %dma_start3A_105 = arith.constant 0 : i32
    %dma_start3A_106 = arith.constant 0 : i32
    %dma_start3A_107 = tpu.memref_slice %arg5[%dma_start3A_104, %dma_start3A_105, %dma_start3A_106] : memref<3x8x4096xf32, #tpu.memory_space<vmem>> -> memref<1x8x4096xf32, #tpu.memory_space<vmem>>
    %dma_start3A_108 = tpu.memref_squeeze %dma_start3A_107 : memref<1x8x4096xf32, #tpu.memory_space<vmem>> -> memref<8x4096xf32, #tpu.memory_space<vmem>>
    %dma_start3A_109 = arith.constant 0 : i32
    %dma_start3A_110 = tpu.memref_slice %arg2[%select_n3A_79, %mul3A_103, %dma_start3A_109] : memref<200x64x4096xf32, #tpu.memory_space<hbm>> -> memref<1x8x4096xf32, #tpu.memory_space<hbm>>
    %dma_start3A_111 = tpu.memref_squeeze %dma_start3A_110 : memref<1x8x4096xf32, #tpu.memory_space<hbm>> -> memref<8x4096xf32, #tpu.memory_space<hbm>>
    %dma_start3A_112 = arith.constant 0 : i32
    %dma_start3A_113 = arith.constant 0 : i32
    %dma_start3A_114 = tpu.memref_slice %arg5[%dma_start3A_104, %dma_start3A_112, %dma_start3A_113] : memref<3x8x4096xf32, #tpu.memory_space<vmem>> -> memref<1x8x4096xf32, #tpu.memory_space<vmem>>
    %dma_start3A_115 = tpu.memref_squeeze %dma_start3A_114 : memref<1x8x4096xf32, #tpu.memory_space<vmem>> -> memref<8x4096xf32, #tpu.memory_space<vmem>>
    %dma_start3A_116 = arith.constant 0 : i32
    %dma_start3A_117 = tpu.memref_slice %arg2[%select_n3A_79, %mul3A_103, %dma_start3A_116] : memref<200x64x4096xf32, #tpu.memory_space<hbm>> -> memref<1x8x4096xf32, #tpu.memory_space<hbm>>
    %dma_start3A_118 = tpu.memref_squeeze %dma_start3A_117 : memref<1x8x4096xf32, #tpu.memory_space<hbm>> -> memref<8x4096xf32, #tpu.memory_space<hbm>>
    tpu.enqueue_dma source(%dma_start3A_118 : memref<8x4096xf32, #tpu.memory_space<hbm>>) target(%dma_start3A_115 : memref<8x4096xf32, #tpu.memory_space<vmem>>) target_semaphore(%arg7 : memref<!tpu.dma_semaphore, #tpu.memory_space<semaphore_mem>>)
    %scan3A = arith.constant 0 : i32
    %scan3A_119 = arith.constant 0 : i32
    %scan3A_120 = arith.constant 50 : i32
    %scan3A_121 = arith.addi %scan3A_119, %scan3A_120 : i32
    %scan3A_122 = arith.constant 1 : i32
    scf.for %scan3A_177 = %scan3A_119 to %scan3A_121 step %scan3A_122  : i32 {
      %add3A_178 = arith.addi %mul3A_2, %scan3A_177 : i32
      %rem3A_179 = arith.constant 3 : i32
      %rem3A_180 = arith.remsi %scan3A_177, %rem3A_179 : i32
      %dma_wait3A_181 = arith.constant 0 : i32
      %dma_wait3A_182 = arith.constant 0 : i32
      %dma_wait3A_183 = arith.constant 0 : i32
      %dma_wait3A_184 = tpu.memref_slice %arg5[%rem3A_180, %dma_wait3A_182, %dma_wait3A_183] : memref<3x8x4096xf32, #tpu.memory_space<vmem>> -> memref<1x8x4096xf32, #tpu.memory_space<vmem>>
      %dma_wait3A_185 = tpu.memref_squeeze %dma_wait3A_184 : memref<1x8x4096xf32, #tpu.memory_space<vmem>> -> memref<8x4096xf32, #tpu.memory_space<vmem>>
      %dma_wait3A_186 = arith.constant 0 : i32
      %dma_wait3A_187 = arith.constant 0 : i32
      %dma_wait3A_188 = tpu.memref_slice %arg2[%dma_wait3A_181, %dma_wait3A_186, %dma_wait3A_187] : memref<200x64x4096xf32, #tpu.memory_space<hbm>> -> memref<1x8x4096xf32, #tpu.memory_space<hbm>>
      %dma_wait3A_189 = tpu.memref_squeeze %dma_wait3A_188 : memref<1x8x4096xf32, #tpu.memory_space<hbm>> -> memref<8x4096xf32, #tpu.memory_space<hbm>>
      %dma_wait3A_190 = arith.constant 0 : i32
      %dma_wait3A_191 = arith.constant 0 : i32
      %dma_wait3A_192 = tpu.memref_slice %arg5[%rem3A_180, %dma_wait3A_190, %dma_wait3A_191] : memref<3x8x4096xf32, #tpu.memory_space<vmem>> -> memref<1x8x4096xf32, #tpu.memory_space<vmem>>
      %dma_wait3A_193 = tpu.memref_squeeze %dma_wait3A_192 : memref<1x8x4096xf32, #tpu.memory_space<vmem>> -> memref<8x4096xf32, #tpu.memory_space<vmem>>
      %dma_wait3A_194 = arith.constant 0 : i32
      %dma_wait3A_195 = arith.constant 0 : i32
      %dma_wait3A_196 = tpu.memref_slice %arg2[%dma_wait3A_181, %dma_wait3A_194, %dma_wait3A_195] : memref<200x64x4096xf32, #tpu.memory_space<hbm>> -> memref<1x8x4096xf32, #tpu.memory_space<hbm>>
      %dma_wait3A_197 = tpu.memref_squeeze %dma_wait3A_196 : memref<1x8x4096xf32, #tpu.memory_space<hbm>> -> memref<8x4096xf32, #tpu.memory_space<hbm>>
      tpu.wait_dma2 semaphore(%arg7 : memref<!tpu.dma_semaphore, #tpu.memory_space<semaphore_mem>>) src(%dma_wait3A_197 : memref<8x4096xf32, #tpu.memory_space<hbm>>) dst(%dma_wait3A_193 : memref<8x4096xf32, #tpu.memory_space<vmem>>)
      %get3A = arith.index_cast %rem3A_180 : i32 to index
      %get3A_198 = arith.constant 0 : index
      %get3A_199 = tpu.vector_load %arg6[%get3A, %get3A_198] {strides = array<i32>} : memref<3x16xf32, #tpu.memory_space<vmem>>, vector<1x16xf32>,
      %get3A_200 = vector.shape_cast %get3A_199 : vector<1x16xf32> to vector<16xf32>
      %broadcast_in_dim3A = arith.constant 0 : i32
      %broadcast_in_dim3A_201 = vector.broadcast %broadcast_in_dim3A : i32 to vector<16x1xi32>
      %gather3A = vector.shape_cast %broadcast_in_dim3A_201 : vector<16x1xi32> to vector<16xi32>
      %gather3A_202 = tpu.dynamic_gather %get3A_200[%gather3A] in [0] : vector<16xf32>, vector<16xi32> -> vector<16xf32>
      %broadcast_in_dim3A_203 = arith.constant 1 : i32
      %broadcast_in_dim3A_204 = vector.broadcast %broadcast_in_dim3A_203 : i32 to vector<16x1xi32>
      %gather3A_205 = vector.shape_cast %broadcast_in_dim3A_204 : vector<16x1xi32> to vector<16xi32>
      %gather3A_206 = tpu.dynamic_gather %get3A_200[%gather3A_205] in [0] : vector<16xf32>, vector<16xi32> -> vector<16xf32>
      %broadcast_in_dim3A_207 = arith.constant 2 : i32
      %broadcast_in_dim3A_208 = vector.broadcast %broadcast_in_dim3A_207 : i32 to vector<16x1xi32>
      %gather3A_209 = vector.shape_cast %broadcast_in_dim3A_208 : vector<16x1xi32> to vector<16xi32>
      %gather3A_210 = tpu.dynamic_gather %get3A_200[%gather3A_209] in [0] : vector<16xf32>, vector<16xi32> -> vector<16xf32>
      %broadcast_in_dim3A_211 = arith.constant 3 : i32
      %broadcast_in_dim3A_212 = vector.broadcast %broadcast_in_dim3A_211 : i32 to vector<16x1xi32>
      %gather3A_213 = vector.shape_cast %broadcast_in_dim3A_212 : vector<16x1xi32> to vector<16xi32>
      %gather3A_214 = tpu.dynamic_gather %get3A_200[%gather3A_213] in [0] : vector<16xf32>, vector<16xi32> -> vector<16xf32>
      %broadcast_in_dim3A_215 = arith.constant 4 : i32
      %broadcast_in_dim3A_216 = vector.broadcast %broadcast_in_dim3A_215 : i32 to vector<16x1xi32>
      %gather3A_217 = vector.shape_cast %broadcast_in_dim3A_216 : vector<16x1xi32> to vector<16xi32>
      %gather3A_218 = tpu.dynamic_gather %get3A_200[%gather3A_217] in [0] : vector<16xf32>, vector<16xi32> -> vector<16xf32>
      %broadcast_in_dim3A_219 = arith.constant 5 : i32
      %broadcast_in_dim3A_220 = vector.broadcast %broadcast_in_dim3A_219 : i32 to vector<16x1xi32>
      %gather3A_221 = vector.shape_cast %broadcast_in_dim3A_220 : vector<16x1xi32> to vector<16xi32>
      %gather3A_222 = tpu.dynamic_gather %get3A_200[%gather3A_221] in [0] : vector<16xf32>, vector<16xi32> -> vector<16xf32>
      %broadcast_in_dim3A_223 = arith.constant 6 : i32
      %broadcast_in_dim3A_224 = vector.broadcast %broadcast_in_dim3A_223 : i32 to vector<16x1xi32>
      %gather3A_225 = vector.shape_cast %broadcast_in_dim3A_224 : vector<16x1xi32> to vector<16xi32>
      %gather3A_226 = tpu.dynamic_gather %get3A_200[%gather3A_225] in [0] : vector<16xf32>, vector<16xi32> -> vector<16xf32>
      %broadcast_in_dim3A_227 = arith.constant 7 : i32
      %broadcast_in_dim3A_228 = vector.broadcast %broadcast_in_dim3A_227 : i32 to vector<16x1xi32>
      %gather3A_229 = vector.shape_cast %broadcast_in_dim3A_228 : vector<16x1xi32> to vector<16xi32>
      %gather3A_230 = tpu.dynamic_gather %get3A_200[%gather3A_229] in [0] : vector<16xf32>, vector<16xi32> -> vector<16xf32>
      %scan3A_231 = arith.constant 0 : i32
      %scan3A_232 = arith.constant 0 : i32
      %scan3A_233 = arith.constant 64 : i32
      %scan3A_234 = arith.addi %scan3A_232, %scan3A_233 : i32
      %scan3A_235 = arith.constant 1 : i32
      scf.for %scan3A_298 = %scan3A_232 to %scan3A_234 step %scan3A_235  : i32 {
        %mul3A_299 = arith.constant 4 : i32
        %mul3A_300 = arith.muli %scan3A_298, %mul3A_299 : i32
        %add3A_301 = arith.constant 0 : i32
        %add3A_302 = arith.addi %mul3A_300, %add3A_301 : i32
        %mul3A_303 = arith.constant 16 : i32
        %mul3A_304 = arith.muli %add3A_302, %mul3A_303 : i32
        %get3A_305 = arith.constant 0 : i32
        %get3A_306 = arith.index_cast %rem3A_180 : i32 to index
        %get3A_307 = arith.index_cast %get3A_305 : i32 to index
        %get3A_308 = arith.index_cast %mul3A_304 : i32 to index
        %get3A_309 = tpu.vector_load %arg5[%get3A_306, %get3A_307, %get3A_308] {strides = array<i32>} : memref<3x8x4096xf32, #tpu.memory_space<vmem>>, vector<1x1x16xf32>,
        %get3A_310 = vector.shape_cast %get3A_309 : vector<1x1x16xf32> to vector<16xf32>
        %add3A_311 = arith.addf %get3A_310, %gather3A_202 : vector<16xf32>
        %swap3A = arith.constant 0 : i32
        %swap3A_312 = arith.index_cast %rem3A_180 : i32 to index
        %swap3A_313 = arith.index_cast %swap3A : i32 to index
        %swap3A_314 = arith.index_cast %mul3A_304 : i32 to index
        %swap3A_315 = tpu.vector_load %arg5[%swap3A_312, %swap3A_313, %swap3A_314] {strides = array<i32>} : memref<3x8x4096xf32, #tpu.memory_space<vmem>>, vector<1x1x16xf32>,
        %swap3A_316 = vector.shape_cast %swap3A_315 : vector<1x1x16xf32> to vector<16xf32>
        %swap3A_317 = vector.shape_cast %add3A_311 : vector<16xf32> to vector<1x1x16xf32>
        tpu.vector_store %arg5[%swap3A_312, %swap3A_313, %swap3A_314], %swap3A_317 {strides = array<i32>} : memref<3x8x4096xf32, #tpu.memory_space<vmem>>, vector<1x1x16xf32>,
        %get3A_318 = arith.constant 1 : i32
        %get3A_319 = arith.index_cast %rem3A_180 : i32 to index
        %get3A_320 = arith.index_cast %get3A_318 : i32 to index
        %get3A_321 = arith.index_cast %mul3A_304 : i32 to index
        %get3A_322 = tpu.vector_load %arg5[%get3A_319, %get3A_320, %get3A_321] {strides = array<i32>} : memref<3x8x4096xf32, #tpu.memory_space<vmem>>, vector<1x1x16xf32>,
        %get3A_323 = vector.shape_cast %get3A_322 : vector<1x1x16xf32> to vector<16xf32>
        %add3A_324 = arith.addf %get3A_323, %gather3A_206 : vector<16xf32>
        %swap3A_325 = arith.constant 1 : i32
        %swap3A_326 = arith.index_cast %rem3A_180 : i32 to index
        %swap3A_327 = arith.index_cast %swap3A_325 : i32 to index
        %swap3A_328 = arith.index_cast %mul3A_304 : i32 to index
        %swap3A_329 = tpu.vector_load %arg5[%swap3A_326, %swap3A_327, %swap3A_328] {strides = array<i32>} : memref<3x8x4096xf32, #tpu.memory_space<vmem>>, vector<1x1x16xf32>,
        %swap3A_330 = vector.shape_cast %swap3A_329 : vector<1x1x16xf32> to vector<16xf32>
        %swap3A_331 = vector.shape_cast %add3A_324 : vector<16xf32> to vector<1x1x16xf32>
        tpu.vector_store %arg5[%swap3A_326, %swap3A_327, %swap3A_328], %swap3A_331 {strides = array<i32>} : memref<3x8x4096xf32, #tpu.memory_space<vmem>>, vector<1x1x16xf32>,
        %get3A_332 = arith.constant 2 : i32
        %get3A_333 = arith.index_cast %rem3A_180 : i32 to index
        %get3A_334 = arith.index_cast %get3A_332 : i32 to index
        %get3A_335 = arith.index_cast %mul3A_304 : i32 to index
        %get3A_336 = tpu.vector_load %arg5[%get3A_333, %get3A_334, %get3A_335] {strides = array<i32>} : memref<3x8x4096xf32, #tpu.memory_space<vmem>>, vector<1x1x16xf32>,
        %get3A_337 = vector.shape_cast %get3A_336 : vector<1x1x16xf32> to vector<16xf32>
        %add3A_338 = arith.addf %get3A_337, %gather3A_210 : vector<16xf32>
        %swap3A_339 = arith.constant 2 : i32
        %swap3A_340 = arith.index_cast %rem3A_180 : i32 to index
        %swap3A_341 = arith.index_cast %swap3A_339 : i32 to index
        %swap3A_342 = arith.index_cast %mul3A_304 : i32 to index
        %swap3A_343 = tpu.vector_load %arg5[%swap3A_340, %swap3A_341, %swap3A_342] {strides = array<i32>} : memref<3x8x4096xf32, #tpu.memory_space<vmem>>, vector<1x1x16xf32>,
        %swap3A_344 = vector.shape_cast %swap3A_343 : vector<1x1x16xf32> to vector<16xf32>
        %swap3A_345 = vector.shape_cast %add3A_338 : vector<16xf32> to vector<1x1x16xf32>
        tpu.vector_store %arg5[%swap3A_340, %swap3A_341, %swap3A_342], %swap3A_345 {strides = array<i32>} : memref<3x8x4096xf32, #tpu.memory_space<vmem>>, vector<1x1x16xf32>,
        %get3A_346 = arith.constant 3 : i32
        %get3A_347 = arith.index_cast %rem3A_180 : i32 to index
        %get3A_348 = arith.index_cast %get3A_346 : i32 to index
        %get3A_349 = arith.index_cast %mul3A_304 : i32 to index
        %get3A_350 = tpu.vector_load %arg5[%get3A_347, %get3A_348, %get3A_349] {strides = array<i32>} : memref<3x8x4096xf32, #tpu.memory_space<vmem>>, vector<1x1x16xf32>,
        %get3A_351 = vector.shape_cast %get3A_350 : vector<1x1x16xf32> to vector<16xf32>
        %add3A_352 = arith.addf %get3A_351, %gather3A_214 : vector<16xf32>
        %swap3A_353 = arith.constant 3 : i32
        %swap3A_354 = arith.index_cast %rem3A_180 : i32 to index
        %swap3A_355 = arith.index_cast %swap3A_353 : i32 to index
        %swap3A_356 = arith.index_cast %mul3A_304 : i32 to index
        %swap3A_357 = tpu.vector_load %arg5[%swap3A_354, %swap3A_355, %swap3A_356] {strides = array<i32>} : memref<3x8x4096xf32, #tpu.memory_space<vmem>>, vector<1x1x16xf32>,
        %swap3A_358 = vector.shape_cast %swap3A_357 : vector<1x1x16xf32> to vector<16xf32>
        %swap3A_359 = vector.shape_cast %add3A_352 : vector<16xf32> to vector<1x1x16xf32>
        tpu.vector_store %arg5[%swap3A_354, %swap3A_355, %swap3A_356], %swap3A_359 {strides = array<i32>} : memref<3x8x4096xf32, #tpu.memory_space<vmem>>, vector<1x1x16xf32>,
        %get3A_360 = arith.constant 4 : i32
        %get3A_361 = arith.index_cast %rem3A_180 : i32 to index
        %get3A_362 = arith.index_cast %get3A_360 : i32 to index
        %get3A_363 = arith.index_cast %mul3A_304 : i32 to index
        %get3A_364 = tpu.vector_load %arg5[%get3A_361, %get3A_362, %get3A_363] {strides = array<i32>} : memref<3x8x4096xf32, #tpu.memory_space<vmem>>, vector<1x1x16xf32>,
        %get3A_365 = vector.shape_cast %get3A_364 : vector<1x1x16xf32> to vector<16xf32>
        %add3A_366 = arith.addf %get3A_365, %gather3A_218 : vector<16xf32>
        %swap3A_367 = arith.constant 4 : i32
        %swap3A_368 = arith.index_cast %rem3A_180 : i32 to index
        %swap3A_369 = arith.index_cast %swap3A_367 : i32 to index
        %swap3A_370 = arith.index_cast %mul3A_304 : i32 to index
        %swap3A_371 = tpu.vector_load %arg5[%swap3A_368, %swap3A_369, %swap3A_370] {strides = array<i32>} : memref<3x8x4096xf32, #tpu.memory_space<vmem>>, vector<1x1x16xf32>,
        %swap3A_372 = vector.shape_cast %swap3A_371 : vector<1x1x16xf32> to vector<16xf32>
        %swap3A_373 = vector.shape_cast %add3A_366 : vector<16xf32> to vector<1x1x16xf32>
        tpu.vector_store %arg5[%swap3A_368, %swap3A_369, %swap3A_370], %swap3A_373 {strides = array<i32>} : memref<3x8x4096xf32, #tpu.memory_space<vmem>>, vector<1x1x16xf32>,
        %get3A_374 = arith.constant 5 : i32
        %get3A_375 = arith.index_cast %rem3A_180 : i32 to index
        %get3A_376 = arith.index_cast %get3A_374 : i32 to index
        %get3A_377 = arith.index_cast %mul3A_304 : i32 to index
        %get3A_378 = tpu.vector_load %arg5[%get3A_375, %get3A_376, %get3A_377] {strides = array<i32>} : memref<3x8x4096xf32, #tpu.memory_space<vmem>>, vector<1x1x16xf32>,
        %get3A_379 = vector.shape_cast %get3A_378 : vector<1x1x16xf32> to vector<16xf32>
        %add3A_380 = arith.addf %get3A_379, %gather3A_222 : vector<16xf32>
        %swap3A_381 = arith.constant 5 : i32
        %swap3A_382 = arith.index_cast %rem3A_180 : i32 to index
        %swap3A_383 = arith.index_cast %swap3A_381 : i32 to index
        %swap3A_384 = arith.index_cast %mul3A_304 : i32 to index
        %swap3A_385 = tpu.vector_load %arg5[%swap3A_382, %swap3A_383, %swap3A_384] {strides = array<i32>} : memref<3x8x4096xf32, #tpu.memory_space<vmem>>, vector<1x1x16xf32>,
        %swap3A_386 = vector.shape_cast %swap3A_385 : vector<1x1x16xf32> to vector<16xf32>
        %swap3A_387 = vector.shape_cast %add3A_380 : vector<16xf32> to vector<1x1x16xf32>
        tpu.vector_store %arg5[%swap3A_382, %swap3A_383, %swap3A_384], %swap3A_387 {strides = array<i32>} : memref<3x8x4096xf32, #tpu.memory_space<vmem>>, vector<1x1x16xf32>,
        %get3A_388 = arith.constant 6 : i32
        %get3A_389 = arith.index_cast %rem3A_180 : i32 to index
        %get3A_390 = arith.index_cast %get3A_388 : i32 to index
        %get3A_391 = arith.index_cast %mul3A_304 : i32 to index
        %get3A_392 = tpu.vector_load %arg5[%get3A_389, %get3A_390, %get3A_391] {strides = array<i32>} : memref<3x8x4096xf32, #tpu.memory_space<vmem>>, vector<1x1x16xf32>,
        %get3A_393 = vector.shape_cast %get3A_392 : vector<1x1x16xf32> to vector<16xf32>
        %add3A_394 = arith.addf %get3A_393, %gather3A_226 : vector<16xf32>
        %swap3A_395 = arith.constant 6 : i32
        %swap3A_396 = arith.index_cast %rem3A_180 : i32 to index
        %swap3A_397 = arith.index_cast %swap3A_395 : i32 to index
        %swap3A_398 = arith.index_cast %mul3A_304 : i32 to index
        %swap3A_399 = tpu.vector_load %arg5[%swap3A_396, %swap3A_397, %swap3A_398] {strides = array<i32>} : memref<3x8x4096xf32, #tpu.memory_space<vmem>>, vector<1x1x16xf32>,
        %swap3A_400 = vector.shape_cast %swap3A_399 : vector<1x1x16xf32> to vector<16xf32>
        %swap3A_401 = vector.shape_cast %add3A_394 : vector<16xf32> to vector<1x1x16xf32>
        tpu.vector_store %arg5[%swap3A_396, %swap3A_397, %swap3A_398], %swap3A_401 {strides = array<i32>} : memref<3x8x4096xf32, #tpu.memory_space<vmem>>, vector<1x1x16xf32>,
        %get3A_402 = arith.constant 7 : i32
        %get3A_403 = arith.index_cast %rem3A_180 : i32 to index
        %get3A_404 = arith.index_cast %get3A_402 : i32 to index
        %get3A_405 = arith.index_cast %mul3A_304 : i32 to index
        %get3A_406 = tpu.vector_load %arg5[%get3A_403, %get3A_404, %get3A_405] {strides = array<i32>} : memref<3x8x4096xf32, #tpu.memory_space<vmem>>, vector<1x1x16xf32>,
        %get3A_407 = vector.shape_cast %get3A_406 : vector<1x1x16xf32> to vector<16xf32>
        %add3A_408 = arith.addf %get3A_407, %gather3A_230 : vector<16xf32>
        %swap3A_409 = arith.constant 7 : i32
        %swap3A_410 = arith.index_cast %rem3A_180 : i32 to index
        %swap3A_411 = arith.index_cast %swap3A_409 : i32 to index
        %swap3A_412 = arith.index_cast %mul3A_304 : i32 to index
        %swap3A_413 = tpu.vector_load %arg5[%swap3A_410, %swap3A_411, %swap3A_412] {strides = array<i32>} : memref<3x8x4096xf32, #tpu.memory_space<vmem>>, vector<1x1x16xf32>,
        %swap3A_414 = vector.shape_cast %swap3A_413 : vector<1x1x16xf32> to vector<16xf32>
        %swap3A_415 = vector.shape_cast %add3A_408 : vector<16xf32> to vector<1x1x16xf32>
        tpu.vector_store %arg5[%swap3A_410, %swap3A_411, %swap3A_412], %swap3A_415 {strides = array<i32>} : memref<3x8x4096xf32, #tpu.memory_space<vmem>>, vector<1x1x16xf32>,
        %mul3A_416 = arith.constant 4 : i32
        %mul3A_417 = arith.muli %scan3A_298, %mul3A_416 : i32
        %add3A_418 = arith.constant 1 : i32
        %add3A_419 = arith.addi %mul3A_417, %add3A_418 : i32
        %mul3A_420 = arith.constant 16 : i32
        %mul3A_421 = arith.muli %add3A_419, %mul3A_420 : i32
        %get3A_422 = arith.constant 0 : i32
        %get3A_423 = arith.index_cast %rem3A_180 : i32 to index
        %get3A_424 = arith.index_cast %get3A_422 : i32 to index
        %get3A_425 = arith.index_cast %mul3A_421 : i32 to index
        %get3A_426 = tpu.vector_load %arg5[%get3A_423, %get3A_424, %get3A_425] {strides = array<i32>} : memref<3x8x4096xf32, #tpu.memory_space<vmem>>, vector<1x1x16xf32>,
        %get3A_427 = vector.shape_cast %get3A_426 : vector<1x1x16xf32> to vector<16xf32>
        %add3A_428 = arith.addf %get3A_427, %gather3A_202 : vector<16xf32>
        %swap3A_429 = arith.constant 0 : i32
        %swap3A_430 = arith.index_cast %rem3A_180 : i32 to index
        %swap3A_431 = arith.index_cast %swap3A_429 : i32 to index
        %swap3A_432 = arith.index_cast %mul3A_421 : i32 to index
        %swap3A_433 = tpu.vector_load %arg5[%swap3A_430, %swap3A_431, %swap3A_432] {strides = array<i32>} : memref<3x8x4096xf32, #tpu.memory_space<vmem>>, vector<1x1x16xf32>,
        %swap3A_434 = vector.shape_cast %swap3A_433 : vector<1x1x16xf32> to vector<16xf32>
        %swap3A_435 = vector.shape_cast %add3A_428 : vector<16xf32> to vector<1x1x16xf32>
        tpu.vector_store %arg5[%swap3A_430, %swap3A_431, %swap3A_432], %swap3A_435 {strides = array<i32>} : memref<3x8x4096xf32, #tpu.memory_space<vmem>>, vector<1x1x16xf32>,
        %get3A_436 = arith.constant 1 : i32
        %get3A_437 = arith.index_cast %rem3A_180 : i32 to index
        %get3A_438 = arith.index_cast %get3A_436 : i32 to index
        %get3A_439 = arith.index_cast %mul3A_421 : i32 to index
        %get3A_440 = tpu.vector_load %arg5[%get3A_437, %get3A_438, %get3A_439] {strides = array<i32>} : memref<3x8x4096xf32, #tpu.memory_space<vmem>>, vector<1x1x16xf32>,
        %get3A_441 = vector.shape_cast %get3A_440 : vector<1x1x16xf32> to vector<16xf32>
        %add3A_442 = arith.addf %get3A_441, %gather3A_206 : vector<16xf32>
        %swap3A_443 = arith.constant 1 : i32
        %swap3A_444 = arith.index_cast %rem3A_180 : i32 to index
        %swap3A_445 = arith.index_cast %swap3A_443 : i32 to index
        %swap3A_446 = arith.index_cast %mul3A_421 : i32 to index
        %swap3A_447 = tpu.vector_load %arg5[%swap3A_444, %swap3A_445, %swap3A_446] {strides = array<i32>} : memref<3x8x4096xf32, #tpu.memory_space<vmem>>, vector<1x1x16xf32>,
        %swap3A_448 = vector.shape_cast %swap3A_447 : vector<1x1x16xf32> to vector<16xf32>
        %swap3A_449 = vector.shape_cast %add3A_442 : vector<16xf32> to vector<1x1x16xf32>
        tpu.vector_store %arg5[%swap3A_444, %swap3A_445, %swap3A_446], %swap3A_449 {strides = array<i32>} : memref<3x8x4096xf32, #tpu.memory_space<vmem>>, vector<1x1x16xf32>,
        %get3A_450 = arith.constant 2 : i32
        %get3A_451 = arith.index_cast %rem3A_180 : i32 to index
        %get3A_452 = arith.index_cast %get3A_450 : i32 to index
        %get3A_453 = arith.index_cast %mul3A_421 : i32 to index
        %get3A_454 = tpu.vector_load %arg5[%get3A_451, %get3A_452, %get3A_453] {strides = array<i32>} : memref<3x8x4096xf32, #tpu.memory_space<vmem>>, vector<1x1x16xf32>,
        %get3A_455 = vector.shape_cast %get3A_454 : vector<1x1x16xf32> to vector<16xf32>
        %add3A_456 = arith.addf %get3A_455, %gather3A_210 : vector<16xf32>
        %swap3A_457 = arith.constant 2 : i32
        %swap3A_458 = arith.index_cast %rem3A_180 : i32 to index
        %swap3A_459 = arith.index_cast %swap3A_457 : i32 to index
        %swap3A_460 = arith.index_cast %mul3A_421 : i32 to index
        %swap3A_461 = tpu.vector_load %arg5[%swap3A_458, %swap3A_459, %swap3A_460] {strides = array<i32>} : memref<3x8x4096xf32, #tpu.memory_space<vmem>>, vector<1x1x16xf32>,
        %swap3A_462 = vector.shape_cast %swap3A_461 : vector<1x1x16xf32> to vector<16xf32>
        %swap3A_463 = vector.shape_cast %add3A_456 : vector<16xf32> to vector<1x1x16xf32>
        tpu.vector_store %arg5[%swap3A_458, %swap3A_459, %swap3A_460], %swap3A_463 {strides = array<i32>} : memref<3x8x4096xf32, #tpu.memory_space<vmem>>, vector<1x1x16xf32>,
        %get3A_464 = arith.constant 3 : i32
        %get3A_465 = arith.index_cast %rem3A_180 : i32 to index
        %get3A_466 = arith.index_cast %get3A_464 : i32 to index
        %get3A_467 = arith.index_cast %mul3A_421 : i32 to index
        %get3A_468 = tpu.vector_load %arg5[%get3A_465, %get3A_466, %get3A_467] {strides = array<i32>} : memref<3x8x4096xf32, #tpu.memory_space<vmem>>, vector<1x1x16xf32>,
        %get3A_469 = vector.shape_cast %get3A_468 : vector<1x1x16xf32> to vector<16xf32>
        %add3A_470 = arith.addf %get3A_469, %gather3A_214 : vector<16xf32>
        %swap3A_471 = arith.constant 3 : i32
        %swap3A_472 = arith.index_cast %rem3A_180 : i32 to index
        %swap3A_473 = arith.index_cast %swap3A_471 : i32 to index
        %swap3A_474 = arith.index_cast %mul3A_421 : i32 to index
        %swap3A_475 = tpu.vector_load %arg5[%swap3A_472, %swap3A_473, %swap3A_474] {strides = array<i32>} : memref<3x8x4096xf32, #tpu.memory_space<vmem>>, vector<1x1x16xf32>,
        %swap3A_476 = vector.shape_cast %swap3A_475 : vector<1x1x16xf32> to vector<16xf32>
        %swap3A_477 = vector.shape_cast %add3A_470 : vector<16xf32> to vector<1x1x16xf32>
        tpu.vector_store %arg5[%swap3A_472, %swap3A_473, %swap3A_474], %swap3A_477 {strides = array<i32>} : memref<3x8x4096xf32, #tpu.memory_space<vmem>>, vector<1x1x16xf32>,
        %get3A_478 = arith.constant 4 : i32
        %get3A_479 = arith.index_cast %rem3A_180 : i32 to index
        %get3A_480 = arith.index_cast %get3A_478 : i32 to index
        %get3A_481 = arith.index_cast %mul3A_421 : i32 to index
        %get3A_482 = tpu.vector_load %arg5[%get3A_479, %get3A_480, %get3A_481] {strides = array<i32>} : memref<3x8x4096xf32, #tpu.memory_space<vmem>>, vector<1x1x16xf32>,
        %get3A_483 = vector.shape_cast %get3A_482 : vector<1x1x16xf32> to vector<16xf32>
        %add3A_484 = arith.addf %get3A_483, %gather3A_218 : vector<16xf32>
        %swap3A_485 = arith.constant 4 : i32
        %swap3A_486 = arith.index_cast %rem3A_180 : i32 to index
        %swap3A_487 = arith.index_cast %swap3A_485 : i32 to index
        %swap3A_488 = arith.index_cast %mul3A_421 : i32 to index
        %swap3A_489 = tpu.vector_load %arg5[%swap3A_486, %swap3A_487, %swap3A_488] {strides = array<i32>} : memref<3x8x4096xf32, #tpu.memory_space<vmem>>, vector<1x1x16xf32>,
        %swap3A_490 = vector.shape_cast %swap3A_489 : vector<1x1x16xf32> to vector<16xf32>
        %swap3A_491 = vector.shape_cast %add3A_484 : vector<16xf32> to vector<1x1x16xf32>
        tpu.vector_store %arg5[%swap3A_486, %swap3A_487, %swap3A_488], %swap3A_491 {strides = array<i32>} : memref<3x8x4096xf32, #tpu.memory_space<vmem>>, vector<1x1x16xf32>,
        %get3A_492 = arith.constant 5 : i32
        %get3A_493 = arith.index_cast %rem3A_180 : i32 to index
        %get3A_494 = arith.index_cast %get3A_492 : i32 to index
        %get3A_495 = arith.index_cast %mul3A_421 : i32 to index
        %get3A_496 = tpu.vector_load %arg5[%get3A_493, %get3A_494, %get3A_495] {strides = array<i32>} : memref<3x8x4096xf32, #tpu.memory_space<vmem>>, vector<1x1x16xf32>,
        %get3A_497 = vector.shape_cast %get3A_496 : vector<1x1x16xf32> to vector<16xf32>
        %add3A_498 = arith.addf %get3A_497, %gather3A_222 : vector<16xf32>
        %swap3A_499 = arith.constant 5 : i32
        %swap3A_500 = arith.index_cast %rem3A_180 : i32 to index
        %swap3A_501 = arith.index_cast %swap3A_499 : i32 to index
        %swap3A_502 = arith.index_cast %mul3A_421 : i32 to index
        %swap3A_503 = tpu.vector_load %arg5[%swap3A_500, %swap3A_501, %swap3A_502] {strides = array<i32>} : memref<3x8x4096xf32, #tpu.memory_space<vmem>>, vector<1x1x16xf32>,
        %swap3A_504 = vector.shape_cast %swap3A_503 : vector<1x1x16xf32> to vector<16xf32>
        %swap3A_505 = vector.shape_cast %add3A_498 : vector<16xf32> to vector<1x1x16xf32>
        tpu.vector_store %arg5[%swap3A_500, %swap3A_501, %swap3A_502], %swap3A_505 {strides = array<i32>} : memref<3x8x4096xf32, #tpu.memory_space<vmem>>, vector<1x1x16xf32>,
        %get3A_506 = arith.constant 6 : i32
        %get3A_507 = arith.index_cast %rem3A_180 : i32 to index
        %get3A_508 = arith.index_cast %get3A_506 : i32 to index
        %get3A_509 = arith.index_cast %mul3A_421 : i32 to index
        %get3A_510 = tpu.vector_load %arg5[%get3A_507, %get3A_508, %get3A_509] {strides = array<i32>} : memref<3x8x4096xf32, #tpu.memory_space<vmem>>, vector<1x1x16xf32>,
        %get3A_511 = vector.shape_cast %get3A_510 : vector<1x1x16xf32> to vector<16xf32>
        %add3A_512 = arith.addf %get3A_511, %gather3A_226 : vector<16xf32>
        %swap3A_513 = arith.constant 6 : i32
        %swap3A_514 = arith.index_cast %rem3A_180 : i32 to index
        %swap3A_515 = arith.index_cast %swap3A_513 : i32 to index
        %swap3A_516 = arith.index_cast %mul3A_421 : i32 to index
        %swap3A_517 = tpu.vector_load %arg5[%swap3A_514, %swap3A_515, %swap3A_516] {strides = array<i32>} : memref<3x8x4096xf32, #tpu.memory_space<vmem>>, vector<1x1x16xf32>,
        %swap3A_518 = vector.shape_cast %swap3A_517 : vector<1x1x16xf32> to vector<16xf32>
        %swap3A_519 = vector.shape_cast %add3A_512 : vector<16xf32> to vector<1x1x16xf32>
        tpu.vector_store %arg5[%swap3A_514, %swap3A_515, %swap3A_516], %swap3A_519 {strides = array<i32>} : memref<3x8x4096xf32, #tpu.memory_space<vmem>>, vector<1x1x16xf32>,
        %get3A_520 = arith.constant 7 : i32
        %get3A_521 = arith.index_cast %rem3A_180 : i32 to index
        %get3A_522 = arith.index_cast %get3A_520 : i32 to index
        %get3A_523 = arith.index_cast %mul3A_421 : i32 to index
        %get3A_524 = tpu.vector_load %arg5[%get3A_521, %get3A_522, %get3A_523] {strides = array<i32>} : memref<3x8x4096xf32, #tpu.memory_space<vmem>>, vector<1x1x16xf32>,
        %get3A_525 = vector.shape_cast %get3A_524 : vector<1x1x16xf32> to vector<16xf32>
        %add3A_526 = arith.addf %get3A_525, %gather3A_230 : vector<16xf32>
        %swap3A_527 = arith.constant 7 : i32
        %swap3A_528 = arith.index_cast %rem3A_180 : i32 to index
        %swap3A_529 = arith.index_cast %swap3A_527 : i32 to index
        %swap3A_530 = arith.index_cast %mul3A_421 : i32 to index
        %swap3A_531 = tpu.vector_load %arg5[%swap3A_528, %swap3A_529, %swap3A_530] {strides = array<i32>} : memref<3x8x4096xf32, #tpu.memory_space<vmem>>, vector<1x1x16xf32>,
        %swap3A_532 = vector.shape_cast %swap3A_531 : vector<1x1x16xf32> to vector<16xf32>
        %swap3A_533 = vector.shape_cast %add3A_526 : vector<16xf32> to vector<1x1x16xf32>
        tpu.vector_store %arg5[%swap3A_528, %swap3A_529, %swap3A_530], %swap3A_533 {strides = array<i32>} : memref<3x8x4096xf32, #tpu.memory_space<vmem>>, vector<1x1x16xf32>,
        %mul3A_534 = arith.constant 4 : i32
        %mul3A_535 = arith.muli %scan3A_298, %mul3A_534 : i32
        %add3A_536 = arith.constant 2 : i32
        %add3A_537 = arith.addi %mul3A_535, %add3A_536 : i32
        %mul3A_538 = arith.constant 16 : i32
        %mul3A_539 = arith.muli %add3A_537, %mul3A_538 : i32
        %get3A_540 = arith.constant 0 : i32
        %get3A_541 = arith.index_cast %rem3A_180 : i32 to index
        %get3A_542 = arith.index_cast %get3A_540 : i32 to index
        %get3A_543 = arith.index_cast %mul3A_539 : i32 to index
        %get3A_544 = tpu.vector_load %arg5[%get3A_541, %get3A_542, %get3A_543] {strides = array<i32>} : memref<3x8x4096xf32, #tpu.memory_space<vmem>>, vector<1x1x16xf32>,
        %get3A_545 = vector.shape_cast %get3A_544 : vector<1x1x16xf32> to vector<16xf32>
        %add3A_546 = arith.addf %get3A_545, %gather3A_202 : vector<16xf32>
        %swap3A_547 = arith.constant 0 : i32
        %swap3A_548 = arith.index_cast %rem3A_180 : i32 to index
        %swap3A_549 = arith.index_cast %swap3A_547 : i32 to index
        %swap3A_550 = arith.index_cast %mul3A_539 : i32 to index
        %swap3A_551 = tpu.vector_load %arg5[%swap3A_548, %swap3A_549, %swap3A_550] {strides = array<i32>} : memref<3x8x4096xf32, #tpu.memory_space<vmem>>, vector<1x1x16xf32>,
        %swap3A_552 = vector.shape_cast %swap3A_551 : vector<1x1x16xf32> to vector<16xf32>
        %swap3A_553 = vector.shape_cast %add3A_546 : vector<16xf32> to vector<1x1x16xf32>
        tpu.vector_store %arg5[%swap3A_548, %swap3A_549, %swap3A_550], %swap3A_553 {strides = array<i32>} : memref<3x8x4096xf32, #tpu.memory_space<vmem>>, vector<1x1x16xf32>,
        %get3A_554 = arith.constant 1 : i32
        %get3A_555 = arith.index_cast %rem3A_180 : i32 to index
        %get3A_556 = arith.index_cast %get3A_554 : i32 to index
        %get3A_557 = arith.index_cast %mul3A_539 : i32 to index
        %get3A_558 = tpu.vector_load %arg5[%get3A_555, %get3A_556, %get3A_557] {strides = array<i32>} : memref<3x8x4096xf32, #tpu.memory_space<vmem>>, vector<1x1x16xf32>,
        %get3A_559 = vector.shape_cast %get3A_558 : vector<1x1x16xf32> to vector<16xf32>
        %add3A_560 = arith.addf %get3A_559, %gather3A_206 : vector<16xf32>
        %swap3A_561 = arith.constant 1 : i32
        %swap3A_562 = arith.index_cast %rem3A_180 : i32 to index
        %swap3A_563 = arith.index_cast %swap3A_561 : i32 to index
        %swap3A_564 = arith.index_cast %mul3A_539 : i32 to index
        %swap3A_565 = tpu.vector_load %arg5[%swap3A_562, %swap3A_563, %swap3A_564] {strides = array<i32>} : memref<3x8x4096xf32, #tpu.memory_space<vmem>>, vector<1x1x16xf32>,
        %swap3A_566 = vector.shape_cast %swap3A_565 : vector<1x1x16xf32> to vector<16xf32>
        %swap3A_567 = vector.shape_cast %add3A_560 : vector<16xf32> to vector<1x1x16xf32>
        tpu.vector_store %arg5[%swap3A_562, %swap3A_563, %swap3A_564], %swap3A_567 {strides = array<i32>} : memref<3x8x4096xf32, #tpu.memory_space<vmem>>, vector<1x1x16xf32>,
        %get3A_568 = arith.constant 2 : i32
        %get3A_569 = arith.index_cast %rem3A_180 : i32 to index
        %get3A_570 = arith.index_cast %get3A_568 : i32 to index
        %get3A_571 = arith.index_cast %mul3A_539 : i32 to index
        %get3A_572 = tpu.vector_load %arg5[%get3A_569, %get3A_570, %get3A_571] {strides = array<i32>} : memref<3x8x4096xf32, #tpu.memory_space<vmem>>, vector<1x1x16xf32>,
        %get3A_573 = vector.shape_cast %get3A_572 : vector<1x1x16xf32> to vector<16xf32>
        %add3A_574 = arith.addf %get3A_573, %gather3A_210 : vector<16xf32>
        %swap3A_575 = arith.constant 2 : i32
        %swap3A_576 = arith.index_cast %rem3A_180 : i32 to index
        %swap3A_577 = arith.index_cast %swap3A_575 : i32 to index
        %swap3A_578 = arith.index_cast %mul3A_539 : i32 to index
        %swap3A_579 = tpu.vector_load %arg5[%swap3A_576, %swap3A_577, %swap3A_578] {strides = array<i32>} : memref<3x8x4096xf32, #tpu.memory_space<vmem>>, vector<1x1x16xf32>,
        %swap3A_580 = vector.shape_cast %swap3A_579 : vector<1x1x16xf32> to vector<16xf32>
        %swap3A_581 = vector.shape_cast %add3A_574 : vector<16xf32> to vector<1x1x16xf32>
        tpu.vector_store %arg5[%swap3A_576, %swap3A_577, %swap3A_578], %swap3A_581 {strides = array<i32>} : memref<3x8x4096xf32, #tpu.memory_space<vmem>>, vector<1x1x16xf32>,
        %get3A_582 = arith.constant 3 : i32
        %get3A_583 = arith.index_cast %rem3A_180 : i32 to index
        %get3A_584 = arith.index_cast %get3A_582 : i32 to index
        %get3A_585 = arith.index_cast %mul3A_539 : i32 to index
        %get3A_586 = tpu.vector_load %arg5[%get3A_583, %get3A_584, %get3A_585] {strides = array<i32>} : memref<3x8x4096xf32, #tpu.memory_space<vmem>>, vector<1x1x16xf32>,
        %get3A_587 = vector.shape_cast %get3A_586 : vector<1x1x16xf32> to vector<16xf32>
        %add3A_588 = arith.addf %get3A_587, %gather3A_214 : vector<16xf32>
        %swap3A_589 = arith.constant 3 : i32
        %swap3A_590 = arith.index_cast %rem3A_180 : i32 to index
        %swap3A_591 = arith.index_cast %swap3A_589 : i32 to index
        %swap3A_592 = arith.index_cast %mul3A_539 : i32 to index
        %swap3A_593 = tpu.vector_load %arg5[%swap3A_590, %swap3A_591, %swap3A_592] {strides = array<i32>} : memref<3x8x4096xf32, #tpu.memory_space<vmem>>, vector<1x1x16xf32>,
        %swap3A_594 = vector.shape_cast %swap3A_593 : vector<1x1x16xf32> to vector<16xf32>
        %swap3A_595 = vector.shape_cast %add3A_588 : vector<16xf32> to vector<1x1x16xf32>
        tpu.vector_store %arg5[%swap3A_590, %swap3A_591, %swap3A_592], %swap3A_595 {strides = array<i32>} : memref<3x8x4096xf32, #tpu.memory_space<vmem>>, vector<1x1x16xf32>,
        %get3A_596 = arith.constant 4 : i32
        %get3A_597 = arith.index_cast %rem3A_180 : i32 to index
        %get3A_598 = arith.index_cast %get3A_596 : i32 to index
        %get3A_599 = arith.index_cast %mul3A_539 : i32 to index
        %get3A_600 = tpu.vector_load %arg5[%get3A_597, %get3A_598, %get3A_599] {strides = array<i32>} : memref<3x8x4096xf32, #tpu.memory_space<vmem>>, vector<1x1x16xf32>,
        %get3A_601 = vector.shape_cast %get3A_600 : vector<1x1x16xf32> to vector<16xf32>
        %add3A_602 = arith.addf %get3A_601, %gather3A_218 : vector<16xf32>
        %swap3A_603 = arith.constant 4 : i32
        %swap3A_604 = arith.index_cast %rem3A_180 : i32 to index
        %swap3A_605 = arith.index_cast %swap3A_603 : i32 to index
        %swap3A_606 = arith.index_cast %mul3A_539 : i32 to index
        %swap3A_607 = tpu.vector_load %arg5[%swap3A_604, %swap3A_605, %swap3A_606] {strides = array<i32>} : memref<3x8x4096xf32, #tpu.memory_space<vmem>>, vector<1x1x16xf32>,
        %swap3A_608 = vector.shape_cast %swap3A_607 : vector<1x1x16xf32> to vector<16xf32>
        %swap3A_609 = vector.shape_cast %add3A_602 : vector<16xf32> to vector<1x1x16xf32>
        tpu.vector_store %arg5[%swap3A_604, %swap3A_605, %swap3A_606], %swap3A_609 {strides = array<i32>} : memref<3x8x4096xf32, #tpu.memory_space<vmem>>, vector<1x1x16xf32>,
        %get3A_610 = arith.constant 5 : i32
        %get3A_611 = arith.index_cast %rem3A_180 : i32 to index
        %get3A_612 = arith.index_cast %get3A_610 : i32 to index
        %get3A_613 = arith.index_cast %mul3A_539 : i32 to index
        %get3A_614 = tpu.vector_load %arg5[%get3A_611, %get3A_612, %get3A_613] {strides = array<i32>} : memref<3x8x4096xf32, #tpu.memory_space<vmem>>, vector<1x1x16xf32>,
        %get3A_615 = vector.shape_cast %get3A_614 : vector<1x1x16xf32> to vector<16xf32>
        %add3A_616 = arith.addf %get3A_615, %gather3A_222 : vector<16xf32>
        %swap3A_617 = arith.constant 5 : i32
        %swap3A_618 = arith.index_cast %rem3A_180 : i32 to index
        %swap3A_619 = arith.index_cast %swap3A_617 : i32 to index
        %swap3A_620 = arith.index_cast %mul3A_539 : i32 to index
        %swap3A_621 = tpu.vector_load %arg5[%swap3A_618, %swap3A_619, %swap3A_620] {strides = array<i32>} : memref<3x8x4096xf32, #tpu.memory_space<vmem>>, vector<1x1x16xf32>,
        %swap3A_622 = vector.shape_cast %swap3A_621 : vector<1x1x16xf32> to vector<16xf32>
        %swap3A_623 = vector.shape_cast %add3A_616 : vector<16xf32> to vector<1x1x16xf32>
        tpu.vector_store %arg5[%swap3A_618, %swap3A_619, %swap3A_620], %swap3A_623 {strides = array<i32>} : memref<3x8x4096xf32, #tpu.memory_space<vmem>>, vector<1x1x16xf32>,
        %get3A_624 = arith.constant 6 : i32
        %get3A_625 = arith.index_cast %rem3A_180 : i32 to index
        %get3A_626 = arith.index_cast %get3A_624 : i32 to index
        %get3A_627 = arith.index_cast %mul3A_539 : i32 to index
        %get3A_628 = tpu.vector_load %arg5[%get3A_625, %get3A_626, %get3A_627] {strides = array<i32>} : memref<3x8x4096xf32, #tpu.memory_space<vmem>>, vector<1x1x16xf32>,
        %get3A_629 = vector.shape_cast %get3A_628 : vector<1x1x16xf32> to vector<16xf32>
        %add3A_630 = arith.addf %get3A_629, %gather3A_226 : vector<16xf32>
        %swap3A_631 = arith.constant 6 : i32
        %swap3A_632 = arith.index_cast %rem3A_180 : i32 to index
        %swap3A_633 = arith.index_cast %swap3A_631 : i32 to index
        %swap3A_634 = arith.index_cast %mul3A_539 : i32 to index
        %swap3A_635 = tpu.vector_load %arg5[%swap3A_632, %swap3A_633, %swap3A_634] {strides = array<i32>} : memref<3x8x4096xf32, #tpu.memory_space<vmem>>, vector<1x1x16xf32>,
        %swap3A_636 = vector.shape_cast %swap3A_635 : vector<1x1x16xf32> to vector<16xf32>
        %swap3A_637 = vector.shape_cast %add3A_630 : vector<16xf32> to vector<1x1x16xf32>
        tpu.vector_store %arg5[%swap3A_632, %swap3A_633, %swap3A_634], %swap3A_637 {strides = array<i32>} : memref<3x8x4096xf32, #tpu.memory_space<vmem>>, vector<1x1x16xf32>,
        %get3A_638 = arith.constant 7 : i32
        %get3A_639 = arith.index_cast %rem3A_180 : i32 to index
        %get3A_640 = arith.index_cast %get3A_638 : i32 to index
        %get3A_641 = arith.index_cast %mul3A_539 : i32 to index
        %get3A_642 = tpu.vector_load %arg5[%get3A_639, %get3A_640, %get3A_641] {strides = array<i32>} : memref<3x8x4096xf32, #tpu.memory_space<vmem>>, vector<1x1x16xf32>,
        %get3A_643 = vector.shape_cast %get3A_642 : vector<1x1x16xf32> to vector<16xf32>
        %add3A_644 = arith.addf %get3A_643, %gather3A_230 : vector<16xf32>
        %swap3A_645 = arith.constant 7 : i32
        %swap3A_646 = arith.index_cast %rem3A_180 : i32 to index
        %swap3A_647 = arith.index_cast %swap3A_645 : i32 to index
        %swap3A_648 = arith.index_cast %mul3A_539 : i32 to index
        %swap3A_649 = tpu.vector_load %arg5[%swap3A_646, %swap3A_647, %swap3A_648] {strides = array<i32>} : memref<3x8x4096xf32, #tpu.memory_space<vmem>>, vector<1x1x16xf32>,
        %swap3A_650 = vector.shape_cast %swap3A_649 : vector<1x1x16xf32> to vector<16xf32>
        %swap3A_651 = vector.shape_cast %add3A_644 : vector<16xf32> to vector<1x1x16xf32>
        tpu.vector_store %arg5[%swap3A_646, %swap3A_647, %swap3A_648], %swap3A_651 {strides = array<i32>} : memref<3x8x4096xf32, #tpu.memory_space<vmem>>, vector<1x1x16xf32>,
        %mul3A_652 = arith.constant 4 : i32
        %mul3A_653 = arith.muli %scan3A_298, %mul3A_652 : i32
        %add3A_654 = arith.constant 3 : i32
        %add3A_655 = arith.addi %mul3A_653, %add3A_654 : i32
        %mul3A_656 = arith.constant 16 : i32
        %mul3A_657 = arith.muli %add3A_655, %mul3A_656 : i32
        %get3A_658 = arith.constant 0 : i32
        %get3A_659 = arith.index_cast %rem3A_180 : i32 to index
        %get3A_660 = arith.index_cast %get3A_658 : i32 to index
        %get3A_661 = arith.index_cast %mul3A_657 : i32 to index
        %get3A_662 = tpu.vector_load %arg5[%get3A_659, %get3A_660, %get3A_661] {strides = array<i32>} : memref<3x8x4096xf32, #tpu.memory_space<vmem>>, vector<1x1x16xf32>,
        %get3A_663 = vector.shape_cast %get3A_662 : vector<1x1x16xf32> to vector<16xf32>
        %add3A_664 = arith.addf %get3A_663, %gather3A_202 : vector<16xf32>
        %swap3A_665 = arith.constant 0 : i32
        %swap3A_666 = arith.index_cast %rem3A_180 : i32 to index
        %swap3A_667 = arith.index_cast %swap3A_665 : i32 to index
        %swap3A_668 = arith.index_cast %mul3A_657 : i32 to index
        %swap3A_669 = tpu.vector_load %arg5[%swap3A_666, %swap3A_667, %swap3A_668] {strides = array<i32>} : memref<3x8x4096xf32, #tpu.memory_space<vmem>>, vector<1x1x16xf32>,
        %swap3A_670 = vector.shape_cast %swap3A_669 : vector<1x1x16xf32> to vector<16xf32>
        %swap3A_671 = vector.shape_cast %add3A_664 : vector<16xf32> to vector<1x1x16xf32>
        tpu.vector_store %arg5[%swap3A_666, %swap3A_667, %swap3A_668], %swap3A_671 {strides = array<i32>} : memref<3x8x4096xf32, #tpu.memory_space<vmem>>, vector<1x1x16xf32>,
        %get3A_672 = arith.constant 1 : i32
        %get3A_673 = arith.index_cast %rem3A_180 : i32 to index
        %get3A_674 = arith.index_cast %get3A_672 : i32 to index
        %get3A_675 = arith.index_cast %mul3A_657 : i32 to index
        %get3A_676 = tpu.vector_load %arg5[%get3A_673, %get3A_674, %get3A_675] {strides = array<i32>} : memref<3x8x4096xf32, #tpu.memory_space<vmem>>, vector<1x1x16xf32>,
        %get3A_677 = vector.shape_cast %get3A_676 : vector<1x1x16xf32> to vector<16xf32>
        %add3A_678 = arith.addf %get3A_677, %gather3A_206 : vector<16xf32>
        %swap3A_679 = arith.constant 1 : i32
        %swap3A_680 = arith.index_cast %rem3A_180 : i32 to index
        %swap3A_681 = arith.index_cast %swap3A_679 : i32 to index
        %swap3A_682 = arith.index_cast %mul3A_657 : i32 to index
        %swap3A_683 = tpu.vector_load %arg5[%swap3A_680, %swap3A_681, %swap3A_682] {strides = array<i32>} : memref<3x8x4096xf32, #tpu.memory_space<vmem>>, vector<1x1x16xf32>,
        %swap3A_684 = vector.shape_cast %swap3A_683 : vector<1x1x16xf32> to vector<16xf32>
        %swap3A_685 = vector.shape_cast %add3A_678 : vector<16xf32> to vector<1x1x16xf32>
        tpu.vector_store %arg5[%swap3A_680, %swap3A_681, %swap3A_682], %swap3A_685 {strides = array<i32>} : memref<3x8x4096xf32, #tpu.memory_space<vmem>>, vector<1x1x16xf32>,
        %get3A_686 = arith.constant 2 : i32
        %get3A_687 = arith.index_cast %rem3A_180 : i32 to index
        %get3A_688 = arith.index_cast %get3A_686 : i32 to index
        %get3A_689 = arith.index_cast %mul3A_657 : i32 to index
        %get3A_690 = tpu.vector_load %arg5[%get3A_687, %get3A_688, %get3A_689] {strides = array<i32>} : memref<3x8x4096xf32, #tpu.memory_space<vmem>>, vector<1x1x16xf32>,
        %get3A_691 = vector.shape_cast %get3A_690 : vector<1x1x16xf32> to vector<16xf32>
        %add3A_692 = arith.addf %get3A_691, %gather3A_210 : vector<16xf32>
        %swap3A_693 = arith.constant 2 : i32
        %swap3A_694 = arith.index_cast %rem3A_180 : i32 to index
        %swap3A_695 = arith.index_cast %swap3A_693 : i32 to index
        %swap3A_696 = arith.index_cast %mul3A_657 : i32 to index
        %swap3A_697 = tpu.vector_load %arg5[%swap3A_694, %swap3A_695, %swap3A_696] {strides = array<i32>} : memref<3x8x4096xf32, #tpu.memory_space<vmem>>, vector<1x1x16xf32>,
        %swap3A_698 = vector.shape_cast %swap3A_697 : vector<1x1x16xf32> to vector<16xf32>
        %swap3A_699 = vector.shape_cast %add3A_692 : vector<16xf32> to vector<1x1x16xf32>
        tpu.vector_store %arg5[%swap3A_694, %swap3A_695, %swap3A_696], %swap3A_699 {strides = array<i32>} : memref<3x8x4096xf32, #tpu.memory_space<vmem>>, vector<1x1x16xf32>,
        %get3A_700 = arith.constant 3 : i32
        %get3A_701 = arith.index_cast %rem3A_180 : i32 to index
        %get3A_702 = arith.index_cast %get3A_700 : i32 to index
        %get3A_703 = arith.index_cast %mul3A_657 : i32 to index
        %get3A_704 = tpu.vector_load %arg5[%get3A_701, %get3A_702, %get3A_703] {strides = array<i32>} : memref<3x8x4096xf32, #tpu.memory_space<vmem>>, vector<1x1x16xf32>,
        %get3A_705 = vector.shape_cast %get3A_704 : vector<1x1x16xf32> to vector<16xf32>
        %add3A_706 = arith.addf %get3A_705, %gather3A_214 : vector<16xf32>
        %swap3A_707 = arith.constant 3 : i32
        %swap3A_708 = arith.index_cast %rem3A_180 : i32 to index
        %swap3A_709 = arith.index_cast %swap3A_707 : i32 to index
        %swap3A_710 = arith.index_cast %mul3A_657 : i32 to index
        %swap3A_711 = tpu.vector_load %arg5[%swap3A_708, %swap3A_709, %swap3A_710] {strides = array<i32>} : memref<3x8x4096xf32, #tpu.memory_space<vmem>>, vector<1x1x16xf32>,
        %swap3A_712 = vector.shape_cast %swap3A_711 : vector<1x1x16xf32> to vector<16xf32>
        %swap3A_713 = vector.shape_cast %add3A_706 : vector<16xf32> to vector<1x1x16xf32>
        tpu.vector_store %arg5[%swap3A_708, %swap3A_709, %swap3A_710], %swap3A_713 {strides = array<i32>} : memref<3x8x4096xf32, #tpu.memory_space<vmem>>, vector<1x1x16xf32>,
        %get3A_714 = arith.constant 4 : i32
        %get3A_715 = arith.index_cast %rem3A_180 : i32 to index
        %get3A_716 = arith.index_cast %get3A_714 : i32 to index
        %get3A_717 = arith.index_cast %mul3A_657 : i32 to index
        %get3A_718 = tpu.vector_load %arg5[%get3A_715, %get3A_716, %get3A_717] {strides = array<i32>} : memref<3x8x4096xf32, #tpu.memory_space<vmem>>, vector<1x1x16xf32>,
        %get3A_719 = vector.shape_cast %get3A_718 : vector<1x1x16xf32> to vector<16xf32>
        %add3A_720 = arith.addf %get3A_719, %gather3A_218 : vector<16xf32>
        %swap3A_721 = arith.constant 4 : i32
        %swap3A_722 = arith.index_cast %rem3A_180 : i32 to index
        %swap3A_723 = arith.index_cast %swap3A_721 : i32 to index
        %swap3A_724 = arith.index_cast %mul3A_657 : i32 to index
        %swap3A_725 = tpu.vector_load %arg5[%swap3A_722, %swap3A_723, %swap3A_724] {strides = array<i32>} : memref<3x8x4096xf32, #tpu.memory_space<vmem>>, vector<1x1x16xf32>,
        %swap3A_726 = vector.shape_cast %swap3A_725 : vector<1x1x16xf32> to vector<16xf32>
        %swap3A_727 = vector.shape_cast %add3A_720 : vector<16xf32> to vector<1x1x16xf32>
        tpu.vector_store %arg5[%swap3A_722, %swap3A_723, %swap3A_724], %swap3A_727 {strides = array<i32>} : memref<3x8x4096xf32, #tpu.memory_space<vmem>>, vector<1x1x16xf32>,
        %get3A_728 = arith.constant 5 : i32
        %get3A_729 = arith.index_cast %rem3A_180 : i32 to index
        %get3A_730 = arith.index_cast %get3A_728 : i32 to index
        %get3A_731 = arith.index_cast %mul3A_657 : i32 to index
        %get3A_732 = tpu.vector_load %arg5[%get3A_729, %get3A_730, %get3A_731] {strides = array<i32>} : memref<3x8x4096xf32, #tpu.memory_space<vmem>>, vector<1x1x16xf32>,
        %get3A_733 = vector.shape_cast %get3A_732 : vector<1x1x16xf32> to vector<16xf32>
        %add3A_734 = arith.addf %get3A_733, %gather3A_222 : vector<16xf32>
        %swap3A_735 = arith.constant 5 : i32
        %swap3A_736 = arith.index_cast %rem3A_180 : i32 to index
        %swap3A_737 = arith.index_cast %swap3A_735 : i32 to index
        %swap3A_738 = arith.index_cast %mul3A_657 : i32 to index
        %swap3A_739 = tpu.vector_load %arg5[%swap3A_736, %swap3A_737, %swap3A_738] {strides = array<i32>} : memref<3x8x4096xf32, #tpu.memory_space<vmem>>, vector<1x1x16xf32>,
        %swap3A_740 = vector.shape_cast %swap3A_739 : vector<1x1x16xf32> to vector<16xf32>
        %swap3A_741 = vector.shape_cast %add3A_734 : vector<16xf32> to vector<1x1x16xf32>
        tpu.vector_store %arg5[%swap3A_736, %swap3A_737, %swap3A_738], %swap3A_741 {strides = array<i32>} : memref<3x8x4096xf32, #tpu.memory_space<vmem>>, vector<1x1x16xf32>,
        %get3A_742 = arith.constant 6 : i32
        %get3A_743 = arith.index_cast %rem3A_180 : i32 to index
        %get3A_744 = arith.index_cast %get3A_742 : i32 to index
        %get3A_745 = arith.index_cast %mul3A_657 : i32 to index
        %get3A_746 = tpu.vector_load %arg5[%get3A_743, %get3A_744, %get3A_745] {strides = array<i32>} : memref<3x8x4096xf32, #tpu.memory_space<vmem>>, vector<1x1x16xf32>,
        %get3A_747 = vector.shape_cast %get3A_746 : vector<1x1x16xf32> to vector<16xf32>
        %add3A_748 = arith.addf %get3A_747, %gather3A_226 : vector<16xf32>
        %swap3A_749 = arith.constant 6 : i32
        %swap3A_750 = arith.index_cast %rem3A_180 : i32 to index
        %swap3A_751 = arith.index_cast %swap3A_749 : i32 to index
        %swap3A_752 = arith.index_cast %mul3A_657 : i32 to index
        %swap3A_753 = tpu.vector_load %arg5[%swap3A_750, %swap3A_751, %swap3A_752] {strides = array<i32>} : memref<3x8x4096xf32, #tpu.memory_space<vmem>>, vector<1x1x16xf32>,
        %swap3A_754 = vector.shape_cast %swap3A_753 : vector<1x1x16xf32> to vector<16xf32>
        %swap3A_755 = vector.shape_cast %add3A_748 : vector<16xf32> to vector<1x1x16xf32>
        tpu.vector_store %arg5[%swap3A_750, %swap3A_751, %swap3A_752], %swap3A_755 {strides = array<i32>} : memref<3x8x4096xf32, #tpu.memory_space<vmem>>, vector<1x1x16xf32>,
        %get3A_756 = arith.constant 7 : i32
        %get3A_757 = arith.index_cast %rem3A_180 : i32 to index
        %get3A_758 = arith.index_cast %get3A_756 : i32 to index
        %get3A_759 = arith.index_cast %mul3A_657 : i32 to index
        %get3A_760 = tpu.vector_load %arg5[%get3A_757, %get3A_758, %get3A_759] {strides = array<i32>} : memref<3x8x4096xf32, #tpu.memory_space<vmem>>, vector<1x1x16xf32>,
        %get3A_761 = vector.shape_cast %get3A_760 : vector<1x1x16xf32> to vector<16xf32>
        %add3A_762 = arith.addf %get3A_761, %gather3A_230 : vector<16xf32>
        %swap3A_763 = arith.constant 7 : i32
        %swap3A_764 = arith.index_cast %rem3A_180 : i32 to index
        %swap3A_765 = arith.index_cast %swap3A_763 : i32 to index
        %swap3A_766 = arith.index_cast %mul3A_657 : i32 to index
        %swap3A_767 = tpu.vector_load %arg5[%swap3A_764, %swap3A_765, %swap3A_766] {strides = array<i32>} : memref<3x8x4096xf32, #tpu.memory_space<vmem>>, vector<1x1x16xf32>,
        %swap3A_768 = vector.shape_cast %swap3A_767 : vector<1x1x16xf32> to vector<16xf32>
        %swap3A_769 = vector.shape_cast %add3A_762 : vector<16xf32> to vector<1x1x16xf32>
        tpu.vector_store %arg5[%swap3A_764, %swap3A_765, %swap3A_766], %swap3A_769 {strides = array<i32>} : memref<3x8x4096xf32, #tpu.memory_space<vmem>>, vector<1x1x16xf32>,
      }
      %scan3A_236 = arith.constant 64 : i32
      %jit3A_237 = arith.constant 8 : i32
      %div3A_238 = arith.divsi %add3A_178, %jit3A_237 : i32
      %sign3A_239 = arith.constant 0 : i32
      %sign3A_240 = arith.cmpi sgt, %add3A_178, %sign3A_239 : i32
      %sign3A_241 = arith.extui %sign3A_240 : i1 to i32
      %sign3A_242 = arith.constant 0 : i32
      %sign3A_243 = arith.cmpi slt, %add3A_178, %sign3A_242 : i32
      %sign3A_244 = arith.extui %sign3A_243 : i1 to i32
      %sign3A_245 = arith.subi %sign3A_241, %sign3A_244 : i32
      %sign3A_246 = arith.constant 0 : i32
      %sign3A_247 = arith.cmpi sgt, %jit3A_237, %sign3A_246 : i32
      %sign3A_248 = arith.extui %sign3A_247 : i1 to i32
      %sign3A_249 = arith.constant 0 : i32
      %sign3A_250 = arith.cmpi slt, %jit3A_237, %sign3A_249 : i32
      %sign3A_251 = arith.extui %sign3A_250 : i1 to i32
      %sign3A_252 = arith.subi %sign3A_248, %sign3A_251 : i32
      %ne3A_253 = arith.cmpi ne, %sign3A_245, %sign3A_252 : i32
      %rem3A_254 = arith.remsi %add3A_178, %jit3A_237 : i32
      %ne3A_255 = arith.constant 0 : i32
      %ne3A_256 = arith.cmpi ne, %rem3A_254, %ne3A_255 : i32
      %and3A_257 = arith.andi %ne3A_253, %ne3A_256 : i1
      %sub3A_258 = arith.constant 1 : i32
      %sub3A_259 = arith.subi %div3A_238, %sub3A_258 : i32
      %select_n3A_260 = arith.select %and3A_257, %sub3A_259, %div3A_238 : i32
      %jit3A_261 = arith.constant 8 : i32
      %eq3A_262 = arith.constant 0 : i32
      %eq3A_263 = arith.cmpi eq, %jit3A_261, %eq3A_262 : i32
      %jit3A_264 = arith.constant 1 : i32
      %select_n3A_265 = arith.select %eq3A_263, %jit3A_264, %jit3A_261 : i32
      %rem3A_266 = arith.remsi %add3A_178, %select_n3A_265 : i32
      %ne3A_267 = arith.constant 0 : i32
      %ne3A_268 = arith.cmpi ne, %rem3A_266, %ne3A_267 : i32
      %lt3A_269 = arith.constant 0 : i32
      %lt3A_270 = arith.cmpi slt, %rem3A_266, %lt3A_269 : i32
      %lt3A_271 = arith.constant 0 : i32
      %lt3A_272 = arith.cmpi slt, %select_n3A_265, %lt3A_271 : i32
      %ne3A_273 = arith.xori %lt3A_270, %lt3A_272 : i1
      %and3A_274 = arith.andi %ne3A_273, %ne3A_268 : i1
      %add3A_275 = arith.addi %rem3A_266, %select_n3A_265 : i32
      %select_n3A_276 = arith.select %and3A_274, %add3A_275, %rem3A_266 : i32
      %mul3A_277 = arith.constant 8 : i32
      %mul3A_278 = arith.muli %mul3A_277, %select_n3A_276 : i32
      %dma_start3A_279 = arith.constant 0 : i32
      %dma_start3A_280 = arith.constant 0 : i32
      %dma_start3A_281 = tpu.memref_slice %arg5[%rem3A_180, %dma_start3A_279, %dma_start3A_280] : memref<3x8x4096xf32, #tpu.memory_space<vmem>> -> memref<1x8x4096xf32, #tpu.memory_space<vmem>>
      %dma_start3A_282 = tpu.memref_squeeze %dma_start3A_281 : memref<1x8x4096xf32, #tpu.memory_space<vmem>> -> memref<8x4096xf32, #tpu.memory_space<vmem>>
      %dma_start3A_283 = arith.constant 0 : i32
      %dma_start3A_284 = tpu.memref_slice %arg4[%select_n3A_260, %mul3A_278, %dma_start3A_283] : memref<200x64x4096xf32, #tpu.memory_space<hbm>> -> memref<1x8x4096xf32, #tpu.memory_space<hbm>>
      %dma_start3A_285 = tpu.memref_squeeze %dma_start3A_284 : memref<1x8x4096xf32, #tpu.memory_space<hbm>> -> memref<8x4096xf32, #tpu.memory_space<hbm>>
      %dma_start3A_286 = arith.constant 0 : i32
      %dma_start3A_287 = tpu.memref_slice %arg4[%select_n3A_260, %mul3A_278, %dma_start3A_286] : memref<200x64x4096xf32, #tpu.memory_space<hbm>> -> memref<1x8x4096xf32, #tpu.memory_space<hbm>>
      %dma_start3A_288 = tpu.memref_squeeze %dma_start3A_287 : memref<1x8x4096xf32, #tpu.memory_space<hbm>> -> memref<8x4096xf32, #tpu.memory_space<hbm>>
      %dma_start3A_289 = arith.constant 0 : i32
      %dma_start3A_290 = arith.constant 0 : i32
      %dma_start3A_291 = tpu.memref_slice %arg5[%rem3A_180, %dma_start3A_289, %dma_start3A_290] : memref<3x8x4096xf32, #tpu.memory_space<vmem>> -> memref<1x8x4096xf32, #tpu.memory_space<vmem>>
      %dma_start3A_292 = tpu.memref_squeeze %dma_start3A_291 : memref<1x8x4096xf32, #tpu.memory_space<vmem>> -> memref<8x4096xf32, #tpu.memory_space<vmem>>
      tpu.enqueue_dma source(%dma_start3A_292 : memref<8x4096xf32, #tpu.memory_space<vmem>>) target(%dma_start3A_288 : memref<8x4096xf32, #tpu.memory_space<hbm>>) target_semaphore(%arg8 : memref<!tpu.dma_semaphore, #tpu.memory_space<semaphore_mem>>)
      %add3A_293 = arith.constant 2 : i32
      %add3A_294 = arith.addi %scan3A_177, %add3A_293 : i32
      %lt3A_295 = arith.constant 50 : i32
      %lt3A_296 = arith.cmpi slt, %add3A_294, %lt3A_295 : i32
      %convert_element_type3A = arith.extui %lt3A_296 : i1 to i32
      %cond3A = arith.constant 0 : i32
      %cond3A_297 = arith.cmpi ne, %convert_element_type3A, %cond3A : i32
      scf.if %cond3A_297 {
        %ge3A = arith.constant 1 : i32
        %ge3A_298 = arith.cmpi sge, %scan3A_177, %ge3A : i32
        %convert_element_type3A_299 = arith.extui %ge3A_298 : i1 to i32
        %cond3A_300 = arith.constant 0 : i32
        %cond3A_301 = arith.cmpi ne, %convert_element_type3A_299, %cond3A_300 : i32
        scf.if %cond3A_301 {
          %dma_wait3A_369 = arith.constant 0 : i32
          %dma_wait3A_370 = arith.constant 0 : i32
          %dma_wait3A_371 = arith.constant 0 : i32
          %dma_wait3A_372 = tpu.memref_slice %arg5[%rem3A_180, %dma_wait3A_370, %dma_wait3A_371] : memref<3x8x4096xf32, #tpu.memory_space<vmem>> -> memref<1x8x4096xf32, #tpu.memory_space<vmem>>
          %dma_wait3A_373 = tpu.memref_squeeze %dma_wait3A_372 : memref<1x8x4096xf32, #tpu.memory_space<vmem>> -> memref<8x4096xf32, #tpu.memory_space<vmem>>
          %dma_wait3A_374 = arith.constant 0 : i32
          %dma_wait3A_375 = arith.constant 0 : i32
          %dma_wait3A_376 = tpu.memref_slice %arg4[%dma_wait3A_369, %dma_wait3A_374, %dma_wait3A_375] : memref<200x64x4096xf32, #tpu.memory_space<hbm>> -> memref<1x8x4096xf32, #tpu.memory_space<hbm>>
          %dma_wait3A_377 = tpu.memref_squeeze %dma_wait3A_376 : memref<1x8x4096xf32, #tpu.memory_space<hbm>> -> memref<8x4096xf32, #tpu.memory_space<hbm>>
          %dma_wait3A_378 = arith.constant 0 : i32
          %dma_wait3A_379 = arith.constant 0 : i32
          %dma_wait3A_380 = tpu.memref_slice %arg4[%dma_wait3A_369, %dma_wait3A_378, %dma_wait3A_379] : memref<200x64x4096xf32, #tpu.memory_space<hbm>> -> memref<1x8x4096xf32, #tpu.memory_space<hbm>>
          %dma_wait3A_381 = tpu.memref_squeeze %dma_wait3A_380 : memref<1x8x4096xf32, #tpu.memory_space<hbm>> -> memref<8x4096xf32, #tpu.memory_space<hbm>>
          %dma_wait3A_382 = arith.constant 0 : i32
          %dma_wait3A_383 = arith.constant 0 : i32
          %dma_wait3A_384 = tpu.memref_slice %arg5[%rem3A_180, %dma_wait3A_382, %dma_wait3A_383] : memref<3x8x4096xf32, #tpu.memory_space<vmem>> -> memref<1x8x4096xf32, #tpu.memory_space<vmem>>
          %dma_wait3A_385 = tpu.memref_squeeze %dma_wait3A_384 : memref<1x8x4096xf32, #tpu.memory_space<vmem>> -> memref<8x4096xf32, #tpu.memory_space<vmem>>
          tpu.wait_dma2 semaphore(%arg8 : memref<!tpu.dma_semaphore, #tpu.memory_space<semaphore_mem>>) src(%dma_wait3A_385 : memref<8x4096xf32, #tpu.memory_space<vmem>>) dst(%dma_wait3A_381 : memref<8x4096xf32, #tpu.memory_space<hbm>>)
        } else {
        }
        %add3A_302 = arith.constant 2 : i32
        %add3A_303 = arith.addi %add3A_178, %add3A_302 : i32
        %add3A_304 = arith.constant 2 : i32
        %add3A_305 = arith.addi %scan3A_177, %add3A_304 : i32
        %rem3A_306 = arith.constant 3 : i32
        %rem3A_307 = arith.remsi %add3A_305, %rem3A_306 : i32
        %jit3A_308 = arith.constant 8 : i32
        %div3A_309 = arith.divsi %add3A_303, %jit3A_308 : i32
        %sign3A_310 = arith.constant 0 : i32
        %sign3A_311 = arith.cmpi sgt, %add3A_303, %sign3A_310 : i32
        %sign3A_312 = arith.extui %sign3A_311 : i1 to i32
        %sign3A_313 = arith.constant 0 : i32
        %sign3A_314 = arith.cmpi slt, %add3A_303, %sign3A_313 : i32
        %sign3A_315 = arith.extui %sign3A_314 : i1 to i32
        %sign3A_316 = arith.subi %sign3A_312, %sign3A_315 : i32
        %sign3A_317 = arith.constant 0 : i32
        %sign3A_318 = arith.cmpi sgt, %jit3A_308, %sign3A_317 : i32
        %sign3A_319 = arith.extui %sign3A_318 : i1 to i32
        %sign3A_320 = arith.constant 0 : i32
        %sign3A_321 = arith.cmpi slt, %jit3A_308, %sign3A_320 : i32
        %sign3A_322 = arith.extui %sign3A_321 : i1 to i32
        %sign3A_323 = arith.subi %sign3A_319, %sign3A_322 : i32
        %ne3A_324 = arith.cmpi ne, %sign3A_316, %sign3A_323 : i32
        %rem3A_325 = arith.remsi %add3A_303, %jit3A_308 : i32
        %ne3A_326 = arith.constant 0 : i32
        %ne3A_327 = arith.cmpi ne, %rem3A_325, %ne3A_326 : i32
        %and3A_328 = arith.andi %ne3A_324, %ne3A_327 : i1
        %sub3A_329 = arith.constant 1 : i32
        %sub3A_330 = arith.subi %div3A_309, %sub3A_329 : i32
        %select_n3A_331 = arith.select %and3A_328, %sub3A_330, %div3A_309 : i32
        %jit3A_332 = arith.constant 8 : i32
        %eq3A_333 = arith.constant 0 : i32
        %eq3A_334 = arith.cmpi eq, %jit3A_332, %eq3A_333 : i32
        %jit3A_335 = arith.constant 1 : i32
        %select_n3A_336 = arith.select %eq3A_334, %jit3A_335, %jit3A_332 : i32
        %rem3A_337 = arith.remsi %add3A_303, %select_n3A_336 : i32
        %ne3A_338 = arith.constant 0 : i32
        %ne3A_339 = arith.cmpi ne, %rem3A_337, %ne3A_338 : i32
        %lt3A_340 = arith.constant 0 : i32
        %lt3A_341 = arith.cmpi slt, %rem3A_337, %lt3A_340 : i32
        %lt3A_342 = arith.constant 0 : i32
        %lt3A_343 = arith.cmpi slt, %select_n3A_336, %lt3A_342 : i32
        %ne3A_344 = arith.xori %lt3A_341, %lt3A_343 : i1
        %and3A_345 = arith.andi %ne3A_344, %ne3A_339 : i1
        %add3A_346 = arith.addi %rem3A_337, %select_n3A_336 : i32
        %select_n3A_347 = arith.select %and3A_345, %add3A_346, %rem3A_337 : i32
        %mul3A_348 = arith.constant 64 : i32
        %mul3A_349 = arith.muli %select_n3A_331, %mul3A_348 : i32
        %mul3A_350 = arith.constant 8 : i32
        %mul3A_351 = arith.muli %mul3A_350, %select_n3A_347 : i32
        %add3A_352 = arith.addi %mul3A_349, %mul3A_351 : i32
        "tpu.region"() ({
          %run_scoped3A_369 = tpu.sem_alloc : memref<!tpu.dma_semaphore, #tpu.memory_space<semaphore_mem>>
          %dma_start3A_370 = arith.constant 0 : i32
          %dma_start3A_371 = tpu.memref_slice %arg6[%rem3A_307, %dma_start3A_370] : memref<3x16xf32, #tpu.memory_space<vmem>> -> memref<1x8xf32, #tpu.memory_space<vmem>>
          %dma_start3A_372 = tpu.memref_squeeze %dma_start3A_371 : memref<1x8xf32, #tpu.memory_space<vmem>> -> memref<8xf32, #tpu.memory_space<vmem>>
          %dma_start3A_373 = tpu.memref_slice %arg3[%add3A_352] : memref<12800xf32, #tpu.memory_space<hbm>> -> memref<8xf32, #tpu.memory_space<hbm>>
          %dma_start3A_374 = arith.constant 0 : i32
          %dma_start3A_375 = tpu.memref_slice %arg6[%rem3A_307, %dma_start3A_374] : memref<3x16xf32, #tpu.memory_space<vmem>> -> memref<1x8xf32, #tpu.memory_space<vmem>>
          %dma_start3A_376 = tpu.memref_squeeze %dma_start3A_375 : memref<1x8xf32, #tpu.memory_space<vmem>> -> memref<8xf32, #tpu.memory_space<vmem>>
          %dma_start3A_377 = tpu.memref_slice %arg3[%add3A_352] : memref<12800xf32, #tpu.memory_space<hbm>> -> memref<8xf32, #tpu.memory_space<hbm>>
          tpu.enqueue_dma source(%dma_start3A_377 : memref<8xf32, #tpu.memory_space<hbm>>) target(%dma_start3A_376 : memref<8xf32, #tpu.memory_space<vmem>>) target_semaphore(%run_scoped3A_369 : memref<!tpu.dma_semaphore, #tpu.memory_space<semaphore_mem>>)
          %dma_wait3A_378 = arith.constant 0 : i32
          %dma_wait3A_379 = tpu.memref_slice %arg6[%rem3A_307, %dma_wait3A_378] : memref<3x16xf32, #tpu.memory_space<vmem>> -> memref<1x8xf32, #tpu.memory_space<vmem>>
          %dma_wait3A_380 = tpu.memref_squeeze %dma_wait3A_379 : memref<1x8xf32, #tpu.memory_space<vmem>> -> memref<8xf32, #tpu.memory_space<vmem>>
          %dma_wait3A_381 = tpu.memref_slice %arg3[%add3A_352] : memref<12800xf32, #tpu.memory_space<hbm>> -> memref<8xf32, #tpu.memory_space<hbm>>
          %dma_wait3A_382 = arith.constant 0 : i32
          %dma_wait3A_383 = tpu.memref_slice %arg6[%rem3A_307, %dma_wait3A_382] : memref<3x16xf32, #tpu.memory_space<vmem>> -> memref<1x8xf32, #tpu.memory_space<vmem>>
          %dma_wait3A_384 = tpu.memref_squeeze %dma_wait3A_383 : memref<1x8xf32, #tpu.memory_space<vmem>> -> memref<8xf32, #tpu.memory_space<vmem>>
          %dma_wait3A_385 = tpu.memref_slice %arg3[%add3A_352] : memref<12800xf32, #tpu.memory_space<hbm>> -> memref<8xf32, #tpu.memory_space<hbm>>
          tpu.wait_dma2 semaphore(%run_scoped3A_369 : memref<!tpu.dma_semaphore, #tpu.memory_space<semaphore_mem>>) src(%dma_wait3A_385 : memref<8xf32, #tpu.memory_space<hbm>>) dst(%dma_wait3A_384 : memref<8xf32, #tpu.memory_space<vmem>>)
          tpu.yield
        }) : () -> ()
        %mul3A_353 = arith.constant 8 : i32
        %mul3A_354 = arith.muli %mul3A_353, %select_n3A_347 : i32
        %dma_start3A_355 = arith.constant 0 : i32
        %dma_start3A_356 = arith.constant 0 : i32
        %dma_start3A_357 = tpu.memref_slice %arg5[%rem3A_307, %dma_start3A_355, %dma_start3A_356] : memref<3x8x4096xf32, #tpu.memory_space<vmem>> -> memref<1x8x4096xf32, #tpu.memory_space<vmem>>
        %dma_start3A_358 = tpu.memref_squeeze %dma_start3A_357 : memref<1x8x4096xf32, #tpu.memory_space<vmem>> -> memref<8x4096xf32, #tpu.memory_space<vmem>>
        %dma_start3A_359 = arith.constant 0 : i32
        %dma_start3A_360 = tpu.memref_slice %arg2[%select_n3A_331, %mul3A_354, %dma_start3A_359] : memref<200x64x4096xf32, #tpu.memory_space<hbm>> -> memref<1x8x4096xf32, #tpu.memory_space<hbm>>
        %dma_start3A_361 = tpu.memref_squeeze %dma_start3A_360 : memref<1x8x4096xf32, #tpu.memory_space<hbm>> -> memref<8x4096xf32, #tpu.memory_space<hbm>>
        %dma_start3A_362 = arith.constant 0 : i32
        %dma_start3A_363 = arith.constant 0 : i32
        %dma_start3A_364 = tpu.memref_slice %arg5[%rem3A_307, %dma_start3A_362, %dma_start3A_363] : memref<3x8x4096xf32, #tpu.memory_space<vmem>> -> memref<1x8x4096xf32, #tpu.memory_space<vmem>>
        %dma_start3A_365 = tpu.memref_squeeze %dma_start3A_364 : memref<1x8x4096xf32, #tpu.memory_space<vmem>> -> memref<8x4096xf32, #tpu.memory_space<vmem>>
        %dma_start3A_366 = arith.constant 0 : i32
        %dma_start3A_367 = tpu.memref_slice %arg2[%select_n3A_331, %mul3A_354, %dma_start3A_366] : memref<200x64x4096xf32, #tpu.memory_space<hbm>> -> memref<1x8x4096xf32, #tpu.memory_space<hbm>>
        %dma_start3A_368 = tpu.memref_squeeze %dma_start3A_367 : memref<1x8x4096xf32, #tpu.memory_space<hbm>> -> memref<8x4096xf32, #tpu.memory_space<hbm>>
        tpu.enqueue_dma source(%dma_start3A_368 : memref<8x4096xf32, #tpu.memory_space<hbm>>) target(%dma_start3A_365 : memref<8x4096xf32, #tpu.memory_space<vmem>>) target_semaphore(%arg7 : memref<!tpu.dma_semaphore, #tpu.memory_space<semaphore_mem>>)
      } else {
      }
    }
    %scan3A_123 = arith.constant 50 : i32
    %dma_wait3A = arith.constant 0 : i32
    %dma_wait3A_124 = arith.constant 0 : i32
    %dma_wait3A_125 = arith.constant 0 : i32
    %dma_wait3A_126 = arith.constant 0 : i32
    %dma_wait3A_127 = tpu.memref_slice %arg5[%dma_wait3A, %dma_wait3A_125, %dma_wait3A_126] : memref<3x8x4096xf32, #tpu.memory_space<vmem>> -> memref<1x8x4096xf32, #tpu.memory_space<vmem>>
    %dma_wait3A_128 = tpu.memref_squeeze %dma_wait3A_127 : memref<1x8x4096xf32, #tpu.memory_space<vmem>> -> memref<8x4096xf32, #tpu.memory_space<vmem>>
    %dma_wait3A_129 = arith.constant 0 : i32
    %dma_wait3A_130 = arith.constant 0 : i32
    %dma_wait3A_131 = tpu.memref_slice %arg4[%dma_wait3A_124, %dma_wait3A_129, %dma_wait3A_130] : memref<200x64x4096xf32, #tpu.memory_space<hbm>> -> memref<1x8x4096xf32, #tpu.memory_space<hbm>>
    %dma_wait3A_132 = tpu.memref_squeeze %dma_wait3A_131 : memref<1x8x4096xf32, #tpu.memory_space<hbm>> -> memref<8x4096xf32, #tpu.memory_space<hbm>>
    %dma_wait3A_133 = arith.constant 0 : i32
    %dma_wait3A_134 = arith.constant 0 : i32
    %dma_wait3A_135 = tpu.memref_slice %arg4[%dma_wait3A_124, %dma_wait3A_133, %dma_wait3A_134] : memref<200x64x4096xf32, #tpu.memory_space<hbm>> -> memref<1x8x4096xf32, #tpu.memory_space<hbm>>
    %dma_wait3A_136 = tpu.memref_squeeze %dma_wait3A_135 : memref<1x8x4096xf32, #tpu.memory_space<hbm>> -> memref<8x4096xf32, #tpu.memory_space<hbm>>
    %dma_wait3A_137 = arith.constant 0 : i32
    %dma_wait3A_138 = arith.constant 0 : i32
    %dma_wait3A_139 = tpu.memref_slice %arg5[%dma_wait3A, %dma_wait3A_137, %dma_wait3A_138] : memref<3x8x4096xf32, #tpu.memory_space<vmem>> -> memref<1x8x4096xf32, #tpu.memory_space<vmem>>
    %dma_wait3A_140 = tpu.memref_squeeze %dma_wait3A_139 : memref<1x8x4096xf32, #tpu.memory_space<vmem>> -> memref<8x4096xf32, #tpu.memory_space<vmem>>
    tpu.wait_dma2 semaphore(%arg8 : memref<!tpu.dma_semaphore, #tpu.memory_space<semaphore_mem>>) src(%dma_wait3A_140 : memref<8x4096xf32, #tpu.memory_space<vmem>>) dst(%dma_wait3A_136 : memref<8x4096xf32, #tpu.memory_space<hbm>>)
    %dma_wait3A_141 = arith.constant 1 : i32
    %dma_wait3A_142 = arith.constant 0 : i32
    %dma_wait3A_143 = arith.constant 0 : i32
    %dma_wait3A_144 = arith.constant 0 : i32
    %dma_wait3A_145 = tpu.memref_slice %arg5[%dma_wait3A_141, %dma_wait3A_143, %dma_wait3A_144] : memref<3x8x4096xf32, #tpu.memory_space<vmem>> -> memref<1x8x4096xf32, #tpu.memory_space<vmem>>
    %dma_wait3A_146 = tpu.memref_squeeze %dma_wait3A_145 : memref<1x8x4096xf32, #tpu.memory_space<vmem>> -> memref<8x4096xf32, #tpu.memory_space<vmem>>
    %dma_wait3A_147 = arith.constant 0 : i32
    %dma_wait3A_148 = arith.constant 0 : i32
    %dma_wait3A_149 = tpu.memref_slice %arg4[%dma_wait3A_142, %dma_wait3A_147, %dma_wait3A_148] : memref<200x64x4096xf32, #tpu.memory_space<hbm>> -> memref<1x8x4096xf32, #tpu.memory_space<hbm>>
    %dma_wait3A_150 = tpu.memref_squeeze %dma_wait3A_149 : memref<1x8x4096xf32, #tpu.memory_space<hbm>> -> memref<8x4096xf32, #tpu.memory_space<hbm>>
    %dma_wait3A_151 = arith.constant 0 : i32
    %dma_wait3A_152 = arith.constant 0 : i32
    %dma_wait3A_153 = tpu.memref_slice %arg4[%dma_wait3A_142, %dma_wait3A_151, %dma_wait3A_152] : memref<200x64x4096xf32, #tpu.memory_space<hbm>> -> memref<1x8x4096xf32, #tpu.memory_space<hbm>>
    %dma_wait3A_154 = tpu.memref_squeeze %dma_wait3A_153 : memref<1x8x4096xf32, #tpu.memory_space<hbm>> -> memref<8x4096xf32, #tpu.memory_space<hbm>>
    %dma_wait3A_155 = arith.constant 0 : i32
    %dma_wait3A_156 = arith.constant 0 : i32
    %dma_wait3A_157 = tpu.memref_slice %arg5[%dma_wait3A_141, %dma_wait3A_155, %dma_wait3A_156] : memref<3x8x4096xf32, #tpu.memory_space<vmem>> -> memref<1x8x4096xf32, #tpu.memory_space<vmem>>
    %dma_wait3A_158 = tpu.memref_squeeze %dma_wait3A_157 : memref<1x8x4096xf32, #tpu.memory_space<vmem>> -> memref<8x4096xf32, #tpu.memory_space<vmem>>
    tpu.wait_dma2 semaphore(%arg8 : memref<!tpu.dma_semaphore, #tpu.memory_space<semaphore_mem>>) src(%dma_wait3A_158 : memref<8x4096xf32, #tpu.memory_space<vmem>>) dst(%dma_wait3A_154 : memref<8x4096xf32, #tpu.memory_space<hbm>>)
    %dma_wait3A_159 = arith.constant 2 : i32
    %dma_wait3A_160 = arith.constant 0 : i32
    %dma_wait3A_161 = arith.constant 0 : i32
    %dma_wait3A_162 = arith.constant 0 : i32
    %dma_wait3A_163 = tpu.memref_slice %arg5[%dma_wait3A_159, %dma_wait3A_161, %dma_wait3A_162] : memref<3x8x4096xf32, #tpu.memory_space<vmem>> -> memref<1x8x4096xf32, #tpu.memory_space<vmem>>
    %dma_wait3A_164 = tpu.memref_squeeze %dma_wait3A_163 : memref<1x8x4096xf32, #tpu.memory_space<vmem>> -> memref<8x4096xf32, #tpu.memory_space<vmem>>
    %dma_wait3A_165 = arith.constant 0 : i32
    %dma_wait3A_166 = arith.constant 0 : i32
    %dma_wait3A_167 = tpu.memref_slice %arg4[%dma_wait3A_160, %dma_wait3A_165, %dma_wait3A_166] : memref<200x64x4096xf32, #tpu.memory_space<hbm>> -> memref<1x8x4096xf32, #tpu.memory_space<hbm>>
    %dma_wait3A_168 = tpu.memref_squeeze %dma_wait3A_167 : memref<1x8x4096xf32, #tpu.memory_space<hbm>> -> memref<8x4096xf32, #tpu.memory_space<hbm>>
    %dma_wait3A_169 = arith.constant 0 : i32
    %dma_wait3A_170 = arith.constant 0 : i32
    %dma_wait3A_171 = tpu.memref_slice %arg4[%dma_wait3A_160, %dma_wait3A_169, %dma_wait3A_170] : memref<200x64x4096xf32, #tpu.memory_space<hbm>> -> memref<1x8x4096xf32, #tpu.memory_space<hbm>>
    %dma_wait3A_172 = tpu.memref_squeeze %dma_wait3A_171 : memref<1x8x4096xf32, #tpu.memory_space<hbm>> -> memref<8x4096xf32, #tpu.memory_space<hbm>>
    %dma_wait3A_173 = arith.constant 0 : i32
    %dma_wait3A_174 = arith.constant 0 : i32
    %dma_wait3A_175 = tpu.memref_slice %arg5[%dma_wait3A_159, %dma_wait3A_173, %dma_wait3A_174] : memref<3x8x4096xf32, #tpu.memory_space<vmem>> -> memref<1x8x4096xf32, #tpu.memory_space<vmem>>
    %dma_wait3A_176 = tpu.memref_squeeze %dma_wait3A_175 : memref<1x8x4096xf32, #tpu.memory_space<vmem>> -> memref<8x4096xf32, #tpu.memory_space<vmem>>
    tpu.wait_dma2 semaphore(%arg8 : memref<!tpu.dma_semaphore, #tpu.memory_space<semaphore_mem>>) src(%dma_wait3A_176 : memref<8x4096xf32, #tpu.memory_space<vmem>>) dst(%dma_wait3A_172 : memref<8x4096xf32, #tpu.memory_space<hbm>>)
    return
  }
}

</mosaic_0001>

<sc_bundles>
// kernel: kernel.3.cloned.1.call-start
scs
__scs_entry_jumppad:
0x0: {  	(pc) =	sbr.rel $0x88, $3  }
0x1: {  	(tag) =	ssettag $0x0;
	lr =	simm.s32 $0x1  }
0x2: {  	[smem:$0x3F9F] =	sst lr;
	_ =	strace $0xD0000000  }
0x3: {  	_ = 	snop  }
0x4: {  	_ = 	snop  }
0x5: {  	_ = 	snop  }
0x6: {  	_ = 	snop  }
0x7: {  	_ = 	snop  }
__scs_overlays_trampoline_lowered:
0x8: {  	[smem:$0x3FAE] =	sst s0  }
0x9: {  	[smem:$0x3FAF] =	sst s1  }
0xa: {  	[smem:$0x3FB0] =	sst s2  }
0xb: {  	[smem:$0x3FB1] =	sst s3  }
0xc: {  	[smem:$0x3FB2] =	sst s4  }
0xd: {  	[smem:$0x3FB3] =	sst s5  }
0xe: {  	[smem:$0x3FB4] =	sst s6  }
0xf: {  	[smem:$0x3FB5] =	sst s7  }
0x10: {  	[smem:$0x3FB6] =	sst s8  }
0x11: {  	[smem:$0x3FB7] =	sst s9;
	s0 =	simm.s32 @!p0 $0x0  }
0x12: {  	s1 =	sld [smem:$0x3F9D];
	s0 =	simm.s32 @p0 $0x1  }
0x13: {  	[smem:$0x3FB8] =	sst s0;
	s0 =	simm.s32 @!p1 $0x0  }
0x14: {  	s2 =	sld [smem:$0x3F9C];
	s0 =	simm.s32 @p1 $0x1  }
0x15: {  	[smem:$0x3FB9] =	sst s0;
	s0 =	simm.s32 @!p2 $0x0  }
0x16: {  	s3 =	sld [smem:$0x3FDB];
	s0 =	simm.s32 @p2 $0x1  }
0x17: {  	s4 =	simm.s32 $0x1BF5;
	[smem:$0x3FBB] =	sst s0  }
0x18: {  	s0 =	sld [smem:$0x3F9E];
	_ =	swait.ge [sflag:s4], $0x0  }
0x19: {  	s7 =	sld [smem:$0x3F9F]  }
0x1a: {  	s8 =	sadd.s32 $0xFFFFE003, lr  }
0x1b: {  	s9 =	sadd.s32 $0xFFFFFEF7, lr;
	s5 =	simm.s32 $0xFFFFFFFF;
	p2 =	slt.u32 s8, $0xFFFFF086  }
0x1c: {  	p1 =	slt.u32 s9, $0xF7A;
	s5 =	simm.s32 @!p2 $0x0  }
0x1d: {  	s5 =	simm.s32 @p1 $0x1;
	p0 =	seq.s32 s7, s2  }
0x1e: {  	s7 =	smul.u32 @!p0 $0xF7A, s2;
	p2 =	seq.s32 @!p0 s5, $0x0  }
0x1f: {  	s9 =	smul.u32 $0xF7A, s1;
	s8 =	simm.s32 @!p0 $0x1BF5;
	p2 =	por !p2, p0  }
0x20: {  	[sflag:s8] =	ssyncset.s32 @!p0 $0xFFFFF086;
	s6 =	sadd.s32 @!p0 s3, s7;
	s7 =	simm.s32 @!p0 $0x108  }
0x21: {  	s3 =	sadd.s32 s3, s9;
	s6 =	sadd.s32 @!p0 $0x88, s6;
	s7 =	simm.s32 @p2 $0x1082  }
0x22: {  	[simem:s7], [sflag:s8] =	dma.local @!p0 [hbm:s6], $0xF7A  }
0x23: {  	s9 =	sor.u32 $0xD0000000, s2;
	s6 =	simm.s32 $0x108;
	_ =	swait.ge @!p0 [sflag:s8], $0x0  }
0x24: {  	s3 =	sadd.s32 $0x88, s3;
	s6 =	simm.s32 @!p1 $0x1082;
	[sflag:s4] =	ssyncset.s32 $0xFFFFF086  }
0x25: {  	[simem:s6], [sflag:s4] =	dma.local [hbm:s3], $0xF7A  }
0x26: {  	[smem:$0x3F9F] =	sst s1;
	(tag) =	ssettag s2;
	_ =	strace s9  }
0x27: {  	s1 =	sld [smem:$0x3FAF]  }
0x28: {  	s2 =	sld [smem:$0x3FB0]  }
0x29: {  	s4 =	sld [smem:$0x3FB2]  }
0x2a: {  	p0 =	seq.s32 s5, $0x0;
	s5 =	sld [smem:$0x3FB3]  }
0x2b: {  	s6 =	sld [smem:$0x3FB4]  }
0x2c: {  	s7 =	sld [smem:$0x3FB5]  }
0x2d: {  	s3 =	simm.s32 $0x108;
	s8 =	sld [smem:$0x3FB6]  }
0x2e: {  	s3 =	simm.s32 @!p0 $0x1082;
	s9 =	sld [smem:$0x3FB7]  }
0x2f: {  	lr =	sadd.s32 s0, s3;
	s0 =	sld [smem:$0x3FAE]  }
0x30: {  	s3 =	sld [smem:$0x3FB1]  }
0x31: {  	[smem:$0x3FBA] =	sst s10  }
0x32: {  	s10 =	sld [smem:$0x3FB8];
	_ =	sdelay $0x3  }
0x33: {  	p0 =	seq.s32 s10, $0x1;
	s10 =	sld [smem:$0x3FBA];
	_ =	sdelay $0x3  }
0x34: {  	[smem:$0x3FBA] =	sst s10  }
0x35: {  	s10 =	sld [smem:$0x3FB9];
	_ =	sdelay $0x3  }
0x36: {  	p1 =	seq.s32 s10, $0x1;
	s10 =	sld [smem:$0x3FBA];
	_ =	sdelay $0x3  }
0x37: {  	[smem:$0x3FBA] =	sst s10  }
0x38: {  	s10 =	sld [smem:$0x3FBB]  }
0x39: {  	_ = 	snop;
	(pc) =	sbr.ind lr, $3  }
0x3a: {  	_ = 	snop  }
0x3b: {  	_ = 	snop  }
0x3c: {  	p2 =	seq.s32 s10, $0x1;
	s10 =	sld [smem:$0x3FBA]  }
0x3d: {  	_ =	shalt  }
0x3e: {  	_ =	shalt  }
0x3f: {  	_ =	shalt  }
0x40: {  	_ =	shalt  }
0x41: {  	_ =	shalt  }
0x42: {  	_ =	shalt  }
0x43: {  	_ =	shalt  }
0x44: {  	_ =	shalt  }
0x45: {  	_ =	shalt  }
0x46: {  	_ =	shalt  }
0x47: {  	_ =	shalt  }
0x48: {  	_ =	shalt  }
0x49: {  	_ =	shalt  }
0x4a: {  	_ =	shalt  }
0x4b: {  	_ =	shalt  }
0x4c: {  	_ =	shalt  }
0x4d: {  	_ =	shalt  }
0x4e: {  	_ =	shalt  }
0x4f: {  	_ =	shalt  }
0x50: {  	_ =	shalt  }
0x51: {  	_ =	shalt  }
0x52: {  	_ =	shalt  }
0x53: {  	_ =	shalt  }
0x54: {  	_ =	shalt  }
0x55: {  	_ =	shalt  }
0x56: {  	_ =	shalt  }
0x57: {  	_ =	shalt  }
0x58: {  	_ =	shalt  }
0x59: {  	_ =	shalt  }
0x5a: {  	_ =	shalt  }
0x5b: {  	_ =	shalt  }
0x5c: {  	_ =	shalt  }
0x5d: {  	_ =	shalt  }
0x5e: {  	_ =	shalt  }
0x5f: {  	_ =	shalt  }
0x60: {  	_ =	shalt  }
0x61: {  	_ =	shalt  }
0x62: {  	_ =	shalt  }
0x63: {  	_ =	shalt  }
0x64: {  	_ =	shalt  }
0x65: {  	_ =	shalt  }
0x66: {  	_ =	shalt  }
0x67: {  	_ =	shalt  }
0x68: {  	_ =	shalt  }
0x69: {  	_ =	shalt  }
0x6a: {  	_ =	shalt  }
0x6b: {  	_ =	shalt  }
0x6c: {  	_ =	shalt  }
0x6d: {  	_ =	shalt  }
0x6e: {  	_ =	shalt  }
0x6f: {  	_ =	shalt  }
0x70: {  	_ =	shalt  }
0x71: {  	_ =	shalt  }
0x72: {  	_ =	shalt  }
0x73: {  	_ =	shalt  }
0x74: {  	_ =	shalt  }
0x75: {  	_ =	shalt  }
0x76: {  	_ =	shalt  }
0x77: {  	_ =	shalt  }
0x78: {  	_ =	shalt  }
0x79: {  	_ =	shalt  }
0x7a: {  	_ =	shalt  }
0x7b: {  	_ =	shalt  }
0x7c: {  	_ =	shalt  }
0x7d: {  	_ =	shalt  }
0x7e: {  	_ =	shalt  }
0x7f: {  	_ =	shalt  }
0x80: {  	_ =	shalt  }
0x81: {  	_ =	shalt  }
0x82: {  	_ =	shalt  }
0x83: {  	_ =	shalt  }
0x84: {  	_ =	shalt  }
0x85: {  	_ =	shalt  }
0x86: {  	_ =	shalt  }
0x87: {  	_ =	shalt  }
.Lfunc_end0:
.L_simem_size_0:
called_computation_lowered:
.L_overlay_start_0:
0x88: {  	s2 =	sld [smem:$0x3FD9]  }
0x89: {  	s3 =	sld [smem:$0x3FFE];
	_ =	sdelay $0x1  }
0x8a: {  	s1 =	srdreg.scid  }
0x8b: {  	s0 =	sand.u32 $0x1, s1  }
0x8c: {  	s17 =	sshll.u32 s0, $0xA;
	s2 =	sadd.s32 s3, s2  }
0x8d: {  	s2 =	sadd.s32 s2, s17  }
0x8e: {  	[smem:$0x3FC6] =	sst s2  }
0x8f: {  	_ = 	snop  }
0x90: {  	s2 =	sld [smem:$0x3FC9]  }
0x91: {  	s18 =	sld [smem:$0x3FD0];
	(tm) =	ssettm $0x1  }
0x92: {  	s4 =	sld [smem:$0x3FFB];
	_ =	sdelay $0x3  }
0x93: {  	_ =	strace s4  }
0x94: {  	s4 =	sld [smem:$0x3FFC];
	_ =	sdelay $0x3  }
0x95: {  	_ =	strace s4  }
0x96: {  	s4 =	sld [smem:$0x3FFD];
	_ =	sdelay $0x3  }
0x97: {  	_ =	strace s4  }
0x98: {  	_ =	strace $0x8FFFFFFF  }
0x99: {  	s19 =	sld [smem:$0x3FDB];
	_ =	sdelay $0x1  }
0x9a: {  	s5 =	simm.s32 $_scs_section_size  }
0x9b: {  	s6 =	simm.s32 $_size__tile_overlayer_lowered;
	s7 =	simm.s32 $_tile_overlayer_lowered  }
0x9c: {  	s22 =	simm.s32 $0x1BFF;
	s21 =	sshll.u32 s7, $0x1;
	s4 =	sadd.s32 s5, s19  }
0x9d: {  	s8 =	simm.s32 $0x0;
	s20 =	sshll.u32 s6, $0x1;
	s6 =	sadd.s32 s21, s4  }
0x9e: {  	[timem:s8], [sflag:s22] =	dma.local [hbm:s6], s20  }
0x9f: {  	_ =	swait.ge [sflag:s22], s20  }
0xa0: {  	s5 =	ssub.s32 $0x0, s20;
	[sflag:s22] =	ssyncset.done $0x0  }
0xa1: {  	[sflag:s22] =	ssyncadd.s32 s5;
	_ =	sdelay $0x1  }
0xa2: {  	s23 =	simm.s32 $0x1B8B  }
0xa3: {  	_ =	swait.ge [sflag:s23], $0x1  }
0xa4: {  	[sflag:s23] =	ssyncset.done $0x0  }
0xa5: {  	s25 =	simm.s32 $0x1B8E;
	s24 =	sld [smem:$0x3FFE];
	[sflag:s23] =	ssyncadd.s32 $0xFFFFFFFF  }
0xa6: {  	s26 =	simm.s32 $execute0_lowered;
	[smem:$0x3FD2] =	sst s25  }
0xa7: {  	s6 =	sshll.u32 s26, $0x1;
	_ =	strace $0x80000046;
	[dreg:$0x1] =	wrdreg $0xFFFFFFFF  }
0xa8: {  	s28 =	simm.s32 $_size_execute0_lowered;
	s4 =	sadd.s32 s4, s6;
	[dreg:$0x0] =	wrdreg $0x0  }
0xa9: {  	s6 =	sshll.u32 s28, $0x1;
	[dreg:$0x2] =	wrdreg s4  }
0xaa: {  	[dreg:$0x3] =	wrdreg s6  }
0xab: {  	[dreg:$0x4] =	wrdreg $0xC0  }
0xac: {  	_ =	task [dreg:s8], $0x5FFFF  }
0xad: {  	[dreg:$0x1] =	wrdreg $0xFFFFFFFF  }
0xae: {  	[dreg:$0x0] =	wrdreg $0x60  }
0xaf: {  	[dreg:$0x2] =	wrdreg s2  }
0xb0: {  	[dreg:$0x3] =	wrdreg s24  }
0xb1: {  	[dreg:$0x4] =	wrdreg s18  }
0xb2: {  	[dreg:$0x5] =	wrdreg $0x9  }
0xb3: {  	_ =	task.clear_ibuf [dreg:s8], $0x6FFFF;
	_ =	strace $0x90000046  }
0xb4: {  	s29 =	simm.s32 $0x9;
	_ =	strace $0x80000048  }
0xb5: {  	_ =	swait.ge [sflag:s29], $0x1  }
0xb6: {  	[sflag:s29] =	ssyncadd.s32 $0xFFFFFFFF  }
0xb7: {  	_ =	strace $0x90000048  }
0xb8: {  	_ =	sfence  }
0xb9: {  	s30 =	sld [smem:$0x0];
	_ =	sdelay $0x2  }
0xba: {  	s31 =	sshll.u32 s1, $0xD;
	s1 =	sshrl.u32 s1, $0x2  }
0xbb: {  	s3 =	sand.u32 $0x4000, s31;
	s1 =	sadd.s32 s1, s30  }
0xbc: {  	s0 =	sor.u32 s3, s0;
	s1 =	sshll.u32 s1, $0x11  }
0xbd: {  	s0 =	sor.u32 s1, s0  }
0xbe: {  	s0 =	sadd.s32 $0x8F2B, s0  }
0xbf: {  	[sflag:s0] =	ssyncadd.remote.s32 $0x1  }
0xc0: {  	_ =	sfence.sel $0xFFFF  }
0xc1: {  	[dreg:$0x0] =	wrdreg $0xFFFFFFFF;
	(pc) =	sbr.abs _section_cstart, $3  }
0xc2: {  	[dreg:$0x1] =	wrdreg $0xFFFFFFFF  }
0xc3: {  	_ =	task.clear_ibuf [dreg:s8], $0x2FFFF;
	_ =	strace $0x9FFFFFFF  }
0xc4: {  	(tm) =	ssettm $0x7FFFFFFF  }
0xc5: {  	_ =	shalt  }
tec
execute0_lowered:
.L_overlay_start_1:
0x0: {  	(tag) =	ssettag $0x1  }
0x1: {  	s2 =	rddreg [dreg:$0x0]  }
0x2: {  	s1 =	srdreg.scid;
	s7 =	rddreg [dreg:$0x1]  }
0x3: {  	s0 =	stileid.u32;
	s4 =	rddreg [dreg:$0x2];
	s14 =	simm.s32 $0x18080  }
0x4: {  	s15 =	simm.s32 $0x8000;
	s16 =	simm.s32 $0x1;
	s17 =	simm.s32 $0x2  }
0x5: {  	s18 =	simm.s32 $0x0;
	s6 =	sand.u32 $0x1, s1;
	s28 =	sshll.u32 s0, $0x1  }
0x6: {  	s1 =	rddreg [dreg:$0x3];
	s5 =	sor.u32 s6, s28;
	s11 =	ssub.s32 $0x2, s6  }
0x7: {  	s6 =	sadd.s32 $0x400, s7;
	s3 =	smul.u32 $0x32, s5;
	s9 =	sshll.u32 s5, $0x4  }
0x8: {  	s5 =	simm.s32 $0x0;
	s29 =	sshrl.u32 s11, $0x1;
	s9 =	sand.u32 $0x30, s9  }
0x9: {  	[smem:$0x7FF] =	sst s5;
	s11 =	ssub.s32 s11, s29;
	s8 =	sshrl.u32 s3, $0x3  }
0xa: {  	_ =	strace $0x80000047;
	s30 =	sshll.u32 s9, $0xC;
	s10 =	sshll.u32 s8, $0x6  }
0xb: {  	s11 =	smax.u32 s11, $0x1;
	s12 =	sor.u32 s9, s10;
	s9 =	sor.u32 $0x8, s9  }
0xc: {  	s8 =	sshll.u32 s8, $0x12;
	s12 =	sshrl.u32 s12, $0x3;
	s10 =	sor.u32 s9, s10  }
0xd: {  	s9 =	sshll.u32 s9, $0xC;
	s7 =	sadd.s32 s6, s12;
	s12 =	sor.u32 s30, s8  }
0xe: {  	v0 =	vimm.s32 $0x0;
	v1 =	vimm.s32 $0x1;
	s10 =	sshrl.u32 s10, $0x3;
	s13 =	sor.u32 s8, s9;
	s12 =	sshrl.u32 s12, $0x3  }
0xf: {  	v2 =	vimm.s32 $0x2;
	v3 =	vimm.s32 $0x3;
	v4 =	vimm.s32 $0x4;
	s9 =	sadd.s32 s6, s10;
	s31 =	sshrl.u32 s13, $0x3;
	s13 =	simm.s32 $0x3  }
0x10: {  	v5 =	vimm.s32 $0x5;
	v6 =	vimm.s32 $0x6;
	v7 =	vimm.s32 $0x7;
	s8 =	sadd.s32 s2, s12;
	s10 =	sadd.s32 s2, s31;
	s12 =	simm.s32 $0x18000  }
.LBB2_1:
0x11: {  	[tilespmem:s12], [sflag:$0x3] =	stream.linear.gather [hbm4b:s7+s5], $0x8, $0x38;
	[tilespmem:$0x18200] =	vst v63  }
0x12: {  	_ =	swait.ge [sflag:s13], $0x8  }
0x13: {  	[sflag:s13] =	ssyncset.done $0x0  }
0x14: {  	[sflag:s13] =	ssyncadd.s32 $0xFFFFFFF8  }
0x15: {  	[tilespmem:s5], [sflag:$0x1] =	stream.linear.gather [hbm4b:s8+s5], $0x8000, $0x38;
	[tilespmem:$0x18200] =	vst v63  }
0x16: {  	_ = 	snop  }
0x17: {  	[tilespmem:s14], [sflag:$0x3] =	stream.linear.gather [hbm4b:s9+s5], $0x8, $0x38;
	[tilespmem:$0x18200] =	vst v63  }
0x18: {  	_ =	swait.ge [sflag:s13], $0x8  }
0x19: {  	[sflag:s13] =	ssyncset.done $0x0  }
0x1a: {  	s19 =	simm.s32 $0x0;
	[sflag:s13] =	ssyncadd.s32 $0xFFFFFFF8  }
0x1b: {  	[tilespmem:s15], [sflag:$0x1] =	stream.linear.gather [hbm4b:s10+s5], $0x8000, $0x38;
	[tilespmem:$0x18200] =	vst v63  }
.LBB2_2:
0x1c: {  	s20 =	smul.u32 $0xAB, s19;
	_ =	sdelay $0x1  }
0x1d: {  	s20 =	sshrl.u32 s20, $0x9  }
0x1e: {  	s20 =	sand.u32 $0x7F, s20  }
0x1f: {  	s20 =	smul.u32 $0x3, s20;
	_ =	sdelay $0x1  }
0x20: {  	_ =	swait.ge [sflag:s16], $0x8000;
	s21 =	simm.s32 $0x0;
	s20 =	ssub.s32 s19, s20  }
0x21: {  	[sflag:s16] =	ssyncset.done $0x0;
	s23 =	sand.u32 $0x7C00, s21;
	s20 =	sand.u32 $0xFF, s20  }
0x22: {  	[sflag:s16] =	ssyncadd.s32 $0xFFFF8000;
	s22 =	sshll.u32 s20, $0x7;
	s20 =	sshll.u32 s20, $0xF  }
0x23: {  	s21 =	sand.u32 $0x40, s21;
	v15 =	vld [tilespmem:s22+$0x18000];
	s31 =	sadd.s32 s23, s20  }
0x24: {  	s21 =	sadd.s32 s21, s31  }
0x25: {  	v9 =	vld [tilespmem:s21+$0x0]  }
0x26: {  	v11 =	vld [tilespmem:s21+$0x80]  }
0x27: {  	v13 =	vld [tilespmem:s21+$0x100]  }
0x28: {  	v14 =	vld [tilespmem:s21+$0x180];
	v12 =	vperm.xlane v15, v0  }
0x29: {  	v16 =	vld [tilespmem:s21+$0x200];
	v10 =	vperm.xlane v15, v1  }
0x2a: {  	v18 =	vld [tilespmem:s21+$0x280];
	v8 =	vperm.xlane v15, v2;
	v17 =	vadd.f32 v9, v12  }
0x2b: {  	v20 =	vld [tilespmem:s21+$0x300];
	v9 =	vperm.xlane v15, v3;
	v19 =	vadd.f32 v11, v10  }
0x2c: {  	v21 =	vld [tilespmem:s21+$0x380];
	v11 =	vperm.xlane v15, v4;
	[tilespmem:s21+$0x0] =	vst v17;
	v17 =	vadd.f32 v13, v8  }
0x2d: {  	v22 =	vld [tilespmem:s21+$0x10];
	v13 =	vperm.xlane v15, v5;
	[tilespmem:s21+$0x80] =	vst v19;
	v19 =	vadd.f32 v14, v9  }
0x2e: {  	v14 =	vperm.xlane v15, v6;
	v16 =	vadd.f32 v16, v11;
	[tilespmem:s21+$0x100] =	vst v17;
	v17 =	vld [tilespmem:s21+$0x90]  }
0x2f: {  	v15 =	vperm.xlane v15, v7;
	[tilespmem:s21+$0x180] =	vst v19;
	v18 =	vadd.f32 v18, v13;
	v19 =	vld [tilespmem:s21+$0x110]  }
0x30: {  	[tilespmem:s21+$0x200] =	vst v16;
	v16 =	vadd.f32 v20, v14;
	v20 =	vld [tilespmem:s21+$0x190]  }
0x31: {  	[tilespmem:s21+$0x280] =	vst v18;
	v18 =	vadd.f32 v21, v15;
	v21 =	vld [tilespmem:s21+$0x210]  }
0x32: {  	[tilespmem:s21+$0x300] =	vst v16;
	v16 =	vadd.f32 v22, v12;
	v22 =	vld [tilespmem:s21+$0x290]  }
0x33: {  	[tilespmem:s21+$0x380] =	vst v18;
	v18 =	vld [tilespmem:s21+$0x310];
	v17 =	vadd.f32 v17, v10  }
0x34: {  	[tilespmem:s21+$0x10] =	vst v16;
	v16 =	vadd.f32 v19, v8;
	v19 =	vld [tilespmem:s21+$0x390]  }
0x35: {  	[tilespmem:s21+$0x90] =	vst v17;
	v17 =	vadd.f32 v20, v9;
	v20 =	vld [tilespmem:s21+$0x20]  }
0x36: {  	[tilespmem:s21+$0x110] =	vst v16;
	v16 =	vadd.f32 v21, v11;
	v21 =	vld [tilespmem:s21+$0xA0]  }
0x37: {  	[tilespmem:s21+$0x190] =	vst v17;
	v17 =	vadd.f32 v22, v13;
	v22 =	vld [tilespmem:s21+$0x120]  }
0x38: {  	[tilespmem:s21+$0x210] =	vst v16;
	v16 =	vadd.f32 v18, v14;
	v18 =	vld [tilespmem:s21+$0x1A0]  }
0x39: {  	[tilespmem:s21+$0x290] =	vst v17;
	v17 =	vadd.f32 v19, v15;
	v19 =	vld [tilespmem:s21+$0x220]  }
0x3a: {  	v23 =	vld [tilespmem:s21+$0x2A0];
	[tilespmem:s21+$0x310] =	vst v16;
	v16 =	vadd.f32 v20, v12  }
0x3b: {  	[tilespmem:s21+$0x390] =	vst v17;
	v17 =	vadd.f32 v21, v10;
	v21 =	vld [tilespmem:s21+$0x320]  }
0x3c: {  	v24 =	vld [tilespmem:s21+$0x3A0];
	[tilespmem:s21+$0x20] =	vst v16;
	v16 =	vadd.f32 v22, v8  }
0x3d: {  	v20 =	vld [tilespmem:s21+$0x30];
	[tilespmem:s21+$0xA0] =	vst v17;
	v17 =	vadd.f32 v18, v9  }
0x3e: {  	[tilespmem:s21+$0x120] =	vst v16;
	v16 =	vadd.f32 v19, v11;
	v19 =	vld [tilespmem:s21+$0xB0]  }
0x3f: {  	v18 =	vadd.f32 v23, v13;
	[tilespmem:s21+$0x1A0] =	vst v17;
	v17 =	vld [tilespmem:s21+$0x130]  }
0x40: {  	[tilespmem:s21+$0x220] =	vst v16;
	v16 =	vld [tilespmem:s21+$0x1B0];
	v22 =	vadd.f32 v21, v14  }
0x41: {  	s22 =	simm.s32 $0x200;
	s23 =	simm.s32 $0x40;
	[tilespmem:s21+$0x2A0] =	vst v18;
	v18 =	vld [tilespmem:s21+$0x230];
	v21 =	vadd.f32 v24, v15  }
.LBB2_3:
0x42: {  	s24 =	sand.u32 $0x7C00, s22;
	p0 =	sne.s32 s23, $0xFC0;
	[tilespmem:s21+$0x320] =	vst v22;
	v20 =	vadd.f32 v20, v12;
	v22 =	vld [tilespmem:s21+$0x2B0]  }
0x43: {  	s25 =	sand.u32 $0x40, s23;
	s24 =	sadd.s32 s24, s20;
	[tilespmem:s21+$0x3A0] =	vst v21;
	v19 =	vadd.f32 v19, v10;
	v21 =	vld [tilespmem:s21+$0x330]  }
0x44: {  	s24 =	sadd.s32 s25, s24;
	[tilespmem:s21+$0x30] =	vst v20;
	v17 =	vadd.f32 v17, v8;
	v20 =	vld [tilespmem:s21+$0x3B0]  }
0x45: {  	v23 =	vld [tilespmem:s24+$0x0];
	[tilespmem:s21+$0xB0] =	vst v19;
	v16 =	vadd.f32 v16, v9  }
0x46: {  	v19 =	vld [tilespmem:s24+$0x80];
	[tilespmem:s21+$0x130] =	vst v17;
	v17 =	vadd.f32 v18, v11  }
0x47: {  	v18 =	vld [tilespmem:s24+$0x100];
	[tilespmem:s21+$0x1B0] =	vst v16;
	v16 =	vadd.f32 v22, v13  }
0x48: {  	v22 =	vld [tilespmem:s24+$0x180];
	[tilespmem:s21+$0x230] =	vst v17;
	v17 =	vadd.f32 v21, v14  }
0x49: {  	v21 =	vld [tilespmem:s24+$0x200];
	[tilespmem:s21+$0x2B0] =	vst v16;
	v16 =	vadd.f32 v20, v15  }
0x4a: {  	v20 =	vadd.f32 v23, v12;
	v23 =	vld [tilespmem:s24+$0x280];
	[tilespmem:s21+$0x330] =	vst v17  }
0x4b: {  	v17 =	vadd.f32 v19, v10;
	v19 =	vld [tilespmem:s24+$0x300];
	[tilespmem:s21+$0x3B0] =	vst v16;
	s21 =	smov.u32 s24  }
0x4c: {  	[tilespmem:s21+$0x0] =	vst v20;
	v16 =	vadd.f32 v18, v8;
	v18 =	vld [tilespmem:s21+$0x380]  }
0x4d: {  	[tilespmem:s21+$0x80] =	vst v17;
	v17 =	vadd.f32 v22, v9;
	v20 =	vld [tilespmem:s21+$0x10]  }
0x4e: {  	[tilespmem:s21+$0x100] =	vst v16;
	v16 =	vadd.f32 v21, v11;
	v21 =	vld [tilespmem:s21+$0x90]  }
0x4f: {  	[tilespmem:s21+$0x180] =	vst v17;
	v17 =	vadd.f32 v23, v13;
	v22 =	vld [tilespmem:s21+$0x110]  }
0x50: {  	[tilespmem:s21+$0x200] =	vst v16;
	v16 =	vadd.f32 v19, v14;
	v19 =	vld [tilespmem:s21+$0x190]  }
0x51: {  	[tilespmem:s21+$0x280] =	vst v17;
	v17 =	vadd.f32 v18, v15;
	v18 =	vld [tilespmem:s21+$0x210]  }
0x52: {  	[tilespmem:s21+$0x300] =	vst v16;
	v16 =	vadd.f32 v20, v12;
	v20 =	vld [tilespmem:s21+$0x290]  }
0x53: {  	[tilespmem:s21+$0x380] =	vst v17;
	v17 =	vadd.f32 v21, v10;
	v21 =	vld [tilespmem:s21+$0x310]  }
0x54: {  	[tilespmem:s21+$0x10] =	vst v16;
	v16 =	vadd.f32 v22, v8;
	v22 =	vld [tilespmem:s21+$0x390]  }
0x55: {  	[tilespmem:s21+$0x90] =	vst v17;
	v17 =	vadd.f32 v19, v9;
	v19 =	vld [tilespmem:s21+$0x20]  }
0x56: {  	[tilespmem:s21+$0x110] =	vst v16;
	v16 =	vadd.f32 v18, v11;
	v18 =	vld [tilespmem:s21+$0xA0]  }
0x57: {  	[tilespmem:s21+$0x190] =	vst v17;
	v17 =	vadd.f32 v20, v13;
	v20 =	vld [tilespmem:s21+$0x120]  }
0x58: {  	[tilespmem:s21+$0x210] =	vst v16;
	v16 =	vadd.f32 v21, v14;
	v21 =	vld [tilespmem:s21+$0x1A0]  }
0x59: {  	[tilespmem:s21+$0x290] =	vst v17;
	v17 =	vadd.f32 v22, v15;
	v22 =	vld [tilespmem:s21+$0x220]  }
0x5a: {  	[tilespmem:s21+$0x310] =	vst v16;
	v16 =	vadd.f32 v19, v12;
	v23 =	vld [tilespmem:s21+$0x2A0]  }
0x5b: {  	[tilespmem:s21+$0x390] =	vst v17;
	v17 =	vadd.f32 v18, v10;
	v18 =	vld [tilespmem:s21+$0x320]  }
0x5c: {  	[tilespmem:s21+$0x20] =	vst v16;
	v16 =	vadd.f32 v20, v8;
	v24 =	vld [tilespmem:s21+$0x3A0]  }
.Ltmp0:
0x5d: {  	[tilespmem:s21+$0xA0] =	vst v17;
	v17 =	vadd.f32 v21, v9;
	v20 =	vld [tilespmem:s21+$0x30];
	(pc) =	sbr.rel @p0 .LBB2_3-.Ltmp0, $4  }
0x5e: {  	[tilespmem:s21+$0x120] =	vst v16;
	v16 =	vadd.f32 v22, v11;
	v19 =	vld [tilespmem:s21+$0xB0]  }
0x5f: {  	[tilespmem:s21+$0x1A0] =	vst v17;
	v21 =	vadd.f32 v23, v13;
	v17 =	vld [tilespmem:s21+$0x130]  }
0x60: {  	[tilespmem:s21+$0x220] =	vst v16;
	v22 =	vadd.f32 v18, v14;
	v16 =	vld [tilespmem:s21+$0x1B0]  }
0x61: {  	s22 =	sadd.s32 $0x200, s22;
	s23 =	sadd.s32 $0x40, s23;
	[tilespmem:s21+$0x2A0] =	vst v21;
	v21 =	vadd.f32 v24, v15;
	v18 =	vld [tilespmem:s21+$0x230]  }
0x62: {  	[tilespmem:s21+$0x320] =	vst v22;
	v12 =	vadd.f32 v20, v12;
	v59 =	vld [tilespmem:s21+$0x2B0]  }
0x63: {  	v61 =	vld [tilespmem:s21+$0x3B0];
	[tilespmem:s21+$0x3A0] =	vst v21;
	v10 =	vadd.f32 v19, v10  }
0x64: {  	v60 =	vld [tilespmem:s21+$0x330];
	[tilespmem:s21+$0x30] =	vst v12;
	v8 =	vadd.f32 v17, v8  }
0x65: {  	[tilespmem:s21+$0xB0] =	vst v10;
	v9 =	vadd.f32 v16, v9  }
0x66: {  	[tilespmem:s21+$0x130] =	vst v8;
	v8 =	vadd.f32 v18, v11  }
0x67: {  	[tilespmem:s21+$0x1B0] =	vst v9;
	v62 =	vadd.f32 v59, v13  }
0x68: {  	v63 =	vadd.f32 v61, v15;
	[tilespmem:s21+$0x230] =	vst v8  }
0x69: {  	s22 =	sadd.s32 s3, s19;
	v8 =	vadd.f32 v60, v14;
	[tilespmem:s21+$0x2B0] =	vst v62  }
0x6a: {  	s23 =	sshll.u32 s22, $0xC;
	[tilespmem:s21+$0x3B0] =	vst v63  }
0x6b: {  	p0 =	sgt.u32 s19, $0x2F;
	s31 =	sadd.s32 s4, s23;
	[tilespmem:s21+$0x330] =	vst v8  }
0x6c: {  	[hbm4b:s31+s5] =	stream.linear.scatter [tilespmem:s20], [sflag:$0x2], $0x8000, $0x38;
	[tilespmem:$0x18200] =	vst v63  }
0x6d: {  	s20 =	sadd.s32 @!p0 $0x2, s19  }
0x6e: {  	s21 =	sand.u32 @!p0 $0xFF, s20  }
0x6f: {  	s21 =	smul.u32 @!p0 $0xAB, s21  }
0x70: {  	p1 =	seq.s32 @!p0 s19, $0x0  }
0x71: {  	s22 =	sadd.s32 @!p0 $0x2, s22;
	p1 =	por p1, p0;
	s21 =	sshrl.u32 @!p0 s21, $0x9  }
0x72: {  	s24 =	sshrl.u32 @!p0 s22, $0x3;
	s22 =	sshll.u32 @!p0 s22, $0x3;
	s21 =	smul.u32 @!p0 $0x3, s21  }
0x73: {  	s23 =	simm.s32 @!p1 $0x2;
	s22 =	sand.u32 @!p0 $0x38, s22  }
0x74: {  	_ =	swait.ge @!p1 [sflag:s23], $0x8000;
	s20 =	ssub.s32 @!p0 s20, s21;
	s21 =	sshll.u32 @!p0 s24, $0x6  }
0x75: {  	[sflag:s23] =	ssyncset.done @!p1 $0x0;
	s20 =	sand.u32 @!p0 $0xFF, s20;
	s21 =	sor.u32 @!p0 s22, s21  }
0x76: {  	[sflag:s23] =	ssyncadd.s32 @!p1 $0xFFFF8000;
	s23 =	sshll.u32 @!p0 s20, $0x7;
	s21 =	sshrl.u32 @!p0 s21, $0x3  }
0x77: {  	s25 =	simm.s32 @!p0 $0x0;
	s23 =	sor.u32 @!p0 $0x18000, s23;
	s21 =	sadd.s32 @!p0 s6, s21  }
0x78: {  	[tilespmem:s23], [sflag:$0x3] =	stream.linear.gather @!p0 [hbm4b:s21+s25], $0x8, $0x38;
	[tilespmem:$0x18200] =	vst v63  }
0x79: {  	s22 =	sshll.u32 @!p0 s22, $0xC;
	s21 =	simm.s32 @!p0 $0x3;
	s23 =	sshll.u32 @!p0 s24, $0x12  }
0x7a: {  	_ =	swait.ge @!p0 [sflag:s21], $0x8;
	s22 =	sor.u32 @!p0 s23, s22  }
0x7b: {  	s19 =	sadd.s32 $0x1, s19;
	[sflag:s21] =	ssyncset.done @!p0 $0x0;
	s22 =	sshrl.u32 @!p0 s22, $0x3  }
0x7c: {  	s20 =	sshll.u32 @!p0 s20, $0xF;
	[sflag:s21] =	ssyncadd.s32 @!p0 $0xFFFFFFF8;
	s21 =	sadd.s32 @!p0 s2, s22  }
0x7d: {  	[tilespmem:s20], [sflag:$0x1] =	stream.linear.gather @!p0 [hbm4b:s21+s25], $0x8000, $0x38;
	[tilespmem:$0x18200] =	vst v63  }
0x7e: {  	p0 =	sne.s32 s19, $0x32  }
.Ltmp1:
0x7f: {  	_ = 	snop;
	(pc) =	sbr.rel @p0 .LBB2_2-.Ltmp1, $1  }
0x80: {  	_ =	sdelay $0x3  }
0x81: {  	_ =	swait.ge [sflag:s17], $0x8000  }
0x82: {  	[sflag:s17] =	ssyncset.done $0x0  }
0x83: {  	s18 =	sadd.s32 $0x1, s18;
	[sflag:s17] =	ssyncadd.s32 $0xFFFF8000  }
0x84: {  	p0 =	sne.s32 s18, s11;
	_ =	swait.ge [sflag:s17], $0x8000  }
.Ltmp2:
0x85: {  	[sflag:s17] =	ssyncset.done $0x0;
	(pc) =	sbr.rel @p0 .LBB2_1-.Ltmp2, $4  }
0x86: {  	[sflag:s17] =	ssyncadd.s32 $0xFFFF8000  }
0x87: {  	_ =	swait.ge [sflag:s17], $0x8000  }
0x88: {  	[sflag:s17] =	ssyncset.done $0x0  }
0x89: {  	[sflag:s17] =	ssyncadd.s32 $0xFFFF8000  }
0x8a: {  	_ =	sfence.sel $0x180000  }
0x8b: {  	[bflag:$0x0] =	sbarrier.arrive $0xFFFF  }
0x8c: {  	p0 =	sne.s32 s0, $0x0;
	_ =	strace $0x90000047  }
0x8d: {  	s0 =	sadd.s32 @!p0 $0x100000, s1;
	[bflag:$0x2] =	sbarrier.arrive $0xFFFF  }
0x8e: {  	[sflag:s0] =	ssyncadd.tile.s32 @!p0 $0x1;
	_ =	shalt  }
.Lfunc_end2:
_tile_overlayer_lowered:
.L_overlay_start_2:
0x8f: {  	(tag) =	ssettag $0x2  }
0x90: {  	s0 =	rddreg [dreg:$0x0];
	s2 =	stileid.u32  }
0x91: {  	s1 =	rddreg [dreg:$0x1];
	p0 =	sne.s32 s2, $0x0  }
0x92: {  	s3 =	rddreg [dreg:$0x2];
	[bflag:$0x3] =	sbarrier.arrive $0xFFFF;
	s2 =	simm.s32 @!p0 $0x1C03  }
0x93: {  	[timem:s3], [sflag:s2] =	dma.local @!p0 [hbm:s0], s1  }
0x94: {  	s0 =	simm.s32 @!p0 $0x3  }
0x95: {  	_ =	swait.ge @!p0 [sflag:s0], s1  }
0x96: {  	s1 =	ssub.s32 @!p0 $0x0, s1;
	[sflag:s0] =	ssyncset.done @!p0 $0x0  }
0x97: {  	[sflag:s0] =	ssyncadd.s32 @!p0 s1  }
0x98: {  	[bflag:$0x3] =	sbarrier.arrive $0xFFFF  }
0x99: {  	_ =	shalt  }

</sc_bundles>
